<compile_context>
chip_gen: v7x
topology: tpu7x:2x2x1
jax: 0.10.2.dev20260603
libtpu: 0.0.44.dev20260713+nightly
codegen_flags: <defaults>
</compile_context>

<pallas_src>
import functools

import jax
import jax.numpy as jnp
from jax import lax
from jax.experimental import pallas as pl
from jax.experimental.pallas import tpu as pltpu
from jax.experimental.pallas import tpu_sc as plsc

B, L, D, H = 4, 2048, 1024, 16
DH = D // H
KEEP = L // 2


def _score_ids_kernel(x_ref, se_ref, wq_ref, wk_ref, ids_ref, flat_ref):
    b = pl.program_id(0)

    se_bf = se_ref[...].astype(jnp.bfloat16)
    wq_bf = wq_ref[...].astype(jnp.bfloat16)
    q_f32 = lax.dot_general(se_bf, wq_bf, (((1,), (1,)), ((), ())),
                            preferred_element_type=jnp.float32)
    q_bf = q_f32.astype(jnp.bfloat16)

    x_bf = x_ref[0].astype(jnp.bfloat16)
    wk_bf = wk_ref[...].astype(jnp.bfloat16)
    kt_f32 = lax.dot_general(wk_bf, x_bf, (((1,), (1,)), ((), ())),
                             preferred_element_type=jnp.float32)
    kt_bf = kt_f32.astype(jnp.bfloat16)

    col = lax.broadcasted_iota(jnp.int32, (H, D), 1) // DH
    hh = lax.broadcasted_iota(jnp.int32, (H, D), 0)
    ind = (jnp.int32(1) - jnp.minimum(jnp.abs(col - hh), jnp.int32(1)))
    qmat = jnp.broadcast_to(q_bf, (H, D)) * ind.astype(jnp.bfloat16)
    dots = lax.dot_general(qmat, kt_bf, (((1,), (0,)), ((), ())),
                           preferred_element_type=jnp.float32)

    t = dots * jnp.float32(0.125)
    m = jnp.max(t, axis=1, keepdims=True)
    e = jnp.exp(t - m)
    z = jnp.sum(e, axis=1, keepdims=True)
    p = e / z
    s = jnp.sum(p, axis=0, keepdims=True) * jnp.float32(0.0625)

    s_t = jnp.transpose(s)
    j_row = lax.broadcasted_iota(jnp.int32, (1, L), 1)
    rank = jnp.zeros((1, L), jnp.int32)
    CH = 256
    for c in range(L // CH):
        si = s_t[c * CH:(c + 1) * CH, :]
        ii = lax.broadcasted_iota(jnp.int32, (CH, 1), 0) + c * CH
        gt = si > s
        eq = (si == s) & (ii < j_row)
        contrib = jnp.where(gt | eq, jnp.int32(1), jnp.int32(0))
        rank = rank + jnp.sum(contrib, axis=0, keepdims=True)

    rank_t = jnp.transpose(rank)
    r_row = lax.broadcasted_iota(jnp.int32, (1, KEEP), 1)
    ids = jnp.zeros((1, KEEP), jnp.int32)
    for c in range(L // CH):
        rk = rank_t[c * CH:(c + 1) * CH, :]
        jj = lax.broadcasted_iota(jnp.int32, (CH, 1), 0) + c * CH
        hit = rk == r_row
        ids = ids + jnp.sum(jnp.where(hit, jj, jnp.int32(0)),
                            axis=0, keepdims=True)

    ids_ref[...] = ids.reshape(1, 1, KEEP)
    flat_ref[...] = (ids + b * L).reshape(1, 1, KEEP)


def _score_ids(x_lead, score_emb_w, Wq, Wk):
    return pl.pallas_call(
        _score_ids_kernel,
        grid=(B,),
        in_specs=[
            pl.BlockSpec((1, L, D), lambda b: (b, 0, 0)),
            pl.BlockSpec((1, D), lambda b: (0, 0)),
            pl.BlockSpec((D, D), lambda b: (0, 0)),
            pl.BlockSpec((D, D), lambda b: (0, 0)),
        ],
        out_specs=[
            pl.BlockSpec((1, 1, KEEP), lambda b: (b, 0, 0)),
            pl.BlockSpec((1, 1, KEEP), lambda b: (b, 0, 0)),
        ],
        out_shape=[
            jax.ShapeDtypeStruct((B, 1, KEEP), jnp.int32),
            jax.ShapeDtypeStruct((B, 1, KEEP), jnp.int32),
        ],
    )(x_lead, score_emb_w, Wq, Wk)


def _make_sc_gather():
    info = plsc.get_sparse_core_info()
    nw = info.num_cores * info.num_subcores
    rows_per_w = (B * KEEP) // nw
    CHUNK = 16
    nchunks = rows_per_w // CHUNK
    mesh = plsc.VectorSubcoreMesh(core_axis_name="c", subcore_axis_name="s")

    @functools.partial(
        pl.kernel, mesh=mesh,
        out_type=[
            jax.ShapeDtypeStruct((B * KEEP, D), jnp.float32),
            jax.ShapeDtypeStruct((B * KEEP, D), jnp.float32),
        ],
        scratch_types=[
            pltpu.VMEM((rows_per_w,), jnp.int32),
            pltpu.VMEM((2, CHUNK, D), jnp.float32),
            pltpu.VMEM((2, CHUNK, D), jnp.float32),
        ] + [pltpu.SemaphoreType.DMA] * 8,
    )
    def sc_gather(x_hbm, xp_hbm, idx_hbm, out_x, out_xp,
                  idx_v, rows_x, rows_p,
                  gx0, gx1, gp0, gp1, ox0, ox1, op0, op1):
        wid = lax.axis_index("s") * info.num_cores + lax.axis_index("c")
        base = wid * rows_per_w
        pltpu.sync_copy(idx_hbm.at[pl.ds(base, rows_per_w)], idx_v)
        g_sem = {("x", 0): gx0, ("x", 1): gx1, ("p", 0): gp0, ("p", 1): gp1}
        o_sem = {("x", 0): ox0, ("x", 1): ox1, ("p", 0): op0, ("p", 1): op1}
        gathers, outs = {}, {}

        def start_gather(c):
            b = c % 2
            idx_c = idx_v.at[pl.ds(c * CHUNK, CHUNK)]
            gathers[(c, "x")] = pltpu.make_async_copy(
                x_hbm.at[idx_c], rows_x.at[b], g_sem[("x", b)])
            gathers[(c, "x")].start()
            gathers[(c, "p")] = pltpu.make_async_copy(
                xp_hbm.at[idx_c], rows_p.at[b], g_sem[("p", b)])
            gathers[(c, "p")].start()

        def drain_to_out(c):
            b = c % 2
            dst = pl.ds(base + c * CHUNK, CHUNK)
            gathers[(c, "x")].wait()
            outs[(c, "x")] = pltpu.make_async_copy(
                rows_x.at[b], out_x.at[dst], o_sem[("x", b)])
            outs[(c, "x")].start()
            gathers[(c, "p")].wait()
            outs[(c, "p")] = pltpu.make_async_copy(
                rows_p.at[b], out_xp.at[dst], o_sem[("p", b)])
            outs[(c, "p")].start()

        for c in range(nchunks):
            if c >= 2:
                outs[(c - 2, "x")].wait()
                outs[(c - 2, "p")].wait()
            start_gather(c)
            if c >= 1:
                drain_to_out(c - 1)
        drain_to_out(nchunks - 1)
        outs[(nchunks - 2, "x")].wait()
        outs[(nchunks - 2, "p")].wait()
        outs[(nchunks - 1, "x")].wait()
        outs[(nchunks - 1, "p")].wait()

    return sc_gather


def kernel(x_lead, x_pos_masked, mask_ratio, score_emb_w, Wq, Wk):
    del mask_ratio
    ids, flat_ids = _score_ids(x_lead, score_emb_w, Wq, Wk)
    gather = _make_sc_gather()
    xsel, xpsel = gather(x_lead.reshape(B * L, D),
                         x_pos_masked.reshape(B * L, D),
                         flat_ids.reshape(B * KEEP))
    return (xsel.reshape(B, KEEP, D), xpsel.reshape(B, KEEP, D),
            ids.reshape(B, KEEP))

# --- scband reference (transcript-rebuilt; emitter-appended) ---
"""Pipeline reference for scband-fast-purification-16527034155659 (READ-ONLY COPY).

The authoritative reference and input builder live on the scoring server;
editing this copy changes nothing except your own understanding.
"""

import jax, jax.numpy as jnp
import numpy as np

B, L, D, H = 4, 2048, 1024, 16

def setup_inputs(seed: int = 0) -> dict:
    key = jax.random.key(seed)
    k1, k2, k3, k4, k5 = jax.random.split(key, 5)
    x_lead = jax.random.normal(k1, (B, L, D), dtype=jnp.float32)
    x_pos_masked = jax.random.normal(k2, (B, L, D), dtype=jnp.float32)
    score_emb_w = jax.random.normal(k3, (1, D), dtype=jnp.float32) * 0.02
    Wq = jax.random.normal(k4, (D, D), dtype=jnp.float32) * (1.0 / np.sqrt(D))
    Wk = jax.random.normal(k5, (D, D), dtype=jnp.float32) * (1.0 / np.sqrt(D))
    return {"x_lead": x_lead, "x_pos_masked": x_pos_masked, "mask_ratio": 0.5,
            "score_emb_w": score_emb_w, "Wq": Wq, "Wk": Wk}

def reference(x_lead, x_pos_masked, mask_ratio, score_emb_w, Wq, Wk):
    B_, L_, D_ = x_lead.shape
    h = H
    d = D_ // h
    scale = d ** (-0.5)
    # score_emb repeated over batch, used as query
    query = jnp.broadcast_to(score_emb_w[None, :, :], (B_, 1, D_))
    # Linear projections (no bias)
    q = query @ Wq.T            # [B, 1, D]
    k = x_lead @ Wk.T           # [B, L, D]
    # split heads
    q = q.reshape(B_, 1, h, d).transpose(0, 2, 1, 3)   # [B, h, 1, d]
    k = k.reshape(B_, L_, h, d).transpose(0, 2, 1, 3)  # [B, h, L, d]
    dots = jnp.einsum('bhid,bhjd->bhij', q, k) * scale  # [B, h, 1, L]
    attn = jax.nn.softmax(dots, axis=-1)
    score_atten = jnp.mean(attn, axis=1)   # [B, 1, L]
    x_atten_all = score_atten[:, 0, :] + 0.0 * jnp.asarray(mask_ratio, score_atten.dtype)  # [B, L]
    # sortANDgather with pure_ways='atten' (noise branch unused)
    len_keep = int(L_ * (1.0 - 0.5))
    ids_sorted = jnp.argsort(-x_atten_all, axis=1)  # descending
    ids_keep = ids_sorted[:, :len_keep]             # [B, len_keep]
    idx = jnp.broadcast_to(ids_keep[:, :, None], (B_, len_keep, D_))
    x_selected = jnp.take_along_axis(x_lead, idx, axis=1)
    idxp = jnp.broadcast_to(ids_keep[:, :, None], (B_, len_keep, x_pos_masked.shape[-1]))
    x_selected_pos = jnp.take_along_axis(x_pos_masked, idxp, axis=1)
    return (x_selected, x_selected_pos, ids_keep)

if __name__ == "__main__":
    import jax
    _d = setup_inputs()
    print(jax.jit(kernel)(*tuple(_d.values())))

</pallas_src>

<mosaic_0001>
#map = affine_map<(d0, d1) -> (0, 0)>
#map1 = affine_map<(d0, d1) -> (0)>
module attributes {stable_mosaic.version = 14 : i64} {
  func.func @sc_gather(%arg0: i32, %arg1: i32, %arg2: memref<8192x1024xf32, #tpu.memory_space<hbm>>, %arg3: memref<8192x1024xf32, #tpu.memory_space<hbm>>, %arg4: memref<4096xi32, #tpu.memory_space<hbm>>, %arg5: memref<4096x1024xf32, #tpu.memory_space<hbm>>, %arg6: memref<4096x1024xf32, #tpu.memory_space<hbm>>, %arg7: memref<128xi32, #tpu.memory_space<vmem>>, %arg8: memref<2x16x1024xf32, #tpu.memory_space<vmem>>, %arg9: memref<2x16x1024xf32, #tpu.memory_space<vmem>>, %arg10: memref<!tpu.dma_semaphore, #tpu.memory_space<semaphore_mem>>, %arg11: memref<!tpu.dma_semaphore, #tpu.memory_space<semaphore_mem>>, %arg12: memref<!tpu.dma_semaphore, #tpu.memory_space<semaphore_mem>>, %arg13: memref<!tpu.dma_semaphore, #tpu.memory_space<semaphore_mem>>, %arg14: memref<!tpu.dma_semaphore, #tpu.memory_space<semaphore_mem>>, %arg15: memref<!tpu.dma_semaphore, #tpu.memory_space<semaphore_mem>>, %arg16: memref<!tpu.dma_semaphore, #tpu.memory_space<semaphore_mem>>, %arg17: memref<!tpu.dma_semaphore, #tpu.memory_space<semaphore_mem>>) attributes {dimension_semantics = [#tpu.dimension_semantics<core_parallel>, #tpu.dimension_semantics<subcore_parallel>], iteration_bounds = array<i64: 2, 16>, scalar_prefetch = 0 : i64, scratch_operands = 11 : i64, tpu.core_type = #tpu.core_type<sc_vector_subcore>, window_params = [{transform_indices = #map}, {transform_indices = #map}, {transform_indices = #map1}, {transform_indices = #map}, {transform_indices = #map}]} {
    %mul3A = arith.constant 2 : i32
    %mul3A_0 = arith.muli %arg1, %mul3A : i32
    %add3A = arith.addi %mul3A_0, %arg0 : i32
    %mul3A_1 = arith.constant 128 : i32
    %mul3A_2 = arith.muli %add3A, %mul3A_1 : i32
    "tpu.region"() ({
      %run_scoped3A = tpu.sem_alloc : memref<!tpu.dma_semaphore, #tpu.memory_space<semaphore_mem>>
      %dma_start3A_753 = tpu.memref_slice %arg4[%mul3A_2] : memref<4096xi32, #tpu.memory_space<hbm>> -> memref<128xi32, #tpu.memory_space<hbm>>
      %dma_start3A_754 = tpu.memref_slice %arg4[%mul3A_2] : memref<4096xi32, #tpu.memory_space<hbm>> -> memref<128xi32, #tpu.memory_space<hbm>>
      tpu.enqueue_dma source(%dma_start3A_754 : memref<128xi32, #tpu.memory_space<hbm>>) target(%arg7 : memref<128xi32, #tpu.memory_space<vmem>>) target_semaphore(%run_scoped3A : memref<!tpu.dma_semaphore, #tpu.memory_space<semaphore_mem>>)
      %dma_wait3A_755 = tpu.memref_slice %arg4[%mul3A_2] : memref<4096xi32, #tpu.memory_space<hbm>> -> memref<128xi32, #tpu.memory_space<hbm>>
      %dma_wait3A_756 = tpu.memref_slice %arg4[%mul3A_2] : memref<4096xi32, #tpu.memory_space<hbm>> -> memref<128xi32, #tpu.memory_space<hbm>>
      tpu.wait_dma2 semaphore(%run_scoped3A : memref<!tpu.dma_semaphore, #tpu.memory_space<semaphore_mem>>) src(%dma_wait3A_756 : memref<128xi32, #tpu.memory_space<hbm>>) dst(%arg7 : memref<128xi32, #tpu.memory_space<vmem>>)
      tpu.yield
    }) : () -> ()
    %dma_start3A = arith.constant 0 : i32
    %dma_start3A_3 = arith.constant 0 : i32
    %dma_start3A_4 = arith.constant 0 : i32
    %dma_start3A_5 = tpu.memref_slice %arg8[%dma_start3A, %dma_start3A_3, %dma_start3A_4] : memref<2x16x1024xf32, #tpu.memory_space<vmem>> -> memref<1x16x1024xf32, #tpu.memory_space<vmem>>
    %dma_start3A_6 = tpu.memref_squeeze %dma_start3A_5 : memref<1x16x1024xf32, #tpu.memory_space<vmem>> -> memref<16x1024xf32, #tpu.memory_space<vmem>>
    %dma_start3A_7 = arith.constant 0 : i32
    %dma_start3A_8 = tpu.memref_slice %arg7[%dma_start3A_7] : memref<128xi32, #tpu.memory_space<vmem>> -> memref<16xi32, #tpu.memory_space<vmem>>
    %dma_start3A_9 = arith.constant 0 : i32
    %dma_start3A_10 = arith.constant 0 : i32
    %dma_start3A_11 = tpu.memref_slice %arg2[%dma_start3A_9, %dma_start3A_10] : memref<8192x1024xf32, #tpu.memory_space<hbm>> -> memref<8192x1024xf32, #tpu.memory_space<hbm>>
    tpu.enqueue_indirect_dma source(%dma_start3A_11 : memref<8192x1024xf32, #tpu.memory_space<hbm>>) target(%dma_start3A_6 : memref<16x1024xf32, #tpu.memory_space<vmem>>) offsets(%dma_start3A_8 : memref<16xi32, #tpu.memory_space<vmem>>) semaphore(%arg10 : memref<!tpu.dma_semaphore, #tpu.memory_space<semaphore_mem>>)
    %dma_start3A_12 = arith.constant 0 : i32
    %dma_start3A_13 = arith.constant 0 : i32
    %dma_start3A_14 = arith.constant 0 : i32
    %dma_start3A_15 = tpu.memref_slice %arg9[%dma_start3A_12, %dma_start3A_13, %dma_start3A_14] : memref<2x16x1024xf32, #tpu.memory_space<vmem>> -> memref<1x16x1024xf32, #tpu.memory_space<vmem>>
    %dma_start3A_16 = tpu.memref_squeeze %dma_start3A_15 : memref<1x16x1024xf32, #tpu.memory_space<vmem>> -> memref<16x1024xf32, #tpu.memory_space<vmem>>
    %dma_start3A_17 = arith.constant 0 : i32
    %dma_start3A_18 = tpu.memref_slice %arg7[%dma_start3A_17] : memref<128xi32, #tpu.memory_space<vmem>> -> memref<16xi32, #tpu.memory_space<vmem>>
    %dma_start3A_19 = arith.constant 0 : i32
    %dma_start3A_20 = arith.constant 0 : i32
    %dma_start3A_21 = tpu.memref_slice %arg3[%dma_start3A_19, %dma_start3A_20] : memref<8192x1024xf32, #tpu.memory_space<hbm>> -> memref<8192x1024xf32, #tpu.memory_space<hbm>>
    tpu.enqueue_indirect_dma source(%dma_start3A_21 : memref<8192x1024xf32, #tpu.memory_space<hbm>>) target(%dma_start3A_16 : memref<16x1024xf32, #tpu.memory_space<vmem>>) offsets(%dma_start3A_18 : memref<16xi32, #tpu.memory_space<vmem>>) semaphore(%arg12 : memref<!tpu.dma_semaphore, #tpu.memory_space<semaphore_mem>>)
    %dma_start3A_22 = arith.constant 1 : i32
    %dma_start3A_23 = arith.constant 0 : i32
    %dma_start3A_24 = arith.constant 0 : i32
    %dma_start3A_25 = tpu.memref_slice %arg8[%dma_start3A_22, %dma_start3A_23, %dma_start3A_24] : memref<2x16x1024xf32, #tpu.memory_space<vmem>> -> memref<1x16x1024xf32, #tpu.memory_space<vmem>>
    %dma_start3A_26 = tpu.memref_squeeze %dma_start3A_25 : memref<1x16x1024xf32, #tpu.memory_space<vmem>> -> memref<16x1024xf32, #tpu.memory_space<vmem>>
    %dma_start3A_27 = arith.constant 16 : i32
    %dma_start3A_28 = tpu.memref_slice %arg7[%dma_start3A_27] : memref<128xi32, #tpu.memory_space<vmem>> -> memref<16xi32, #tpu.memory_space<vmem>>
    %dma_start3A_29 = arith.constant 0 : i32
    %dma_start3A_30 = arith.constant 0 : i32
    %dma_start3A_31 = tpu.memref_slice %arg2[%dma_start3A_29, %dma_start3A_30] : memref<8192x1024xf32, #tpu.memory_space<hbm>> -> memref<8192x1024xf32, #tpu.memory_space<hbm>>
    tpu.enqueue_indirect_dma source(%dma_start3A_31 : memref<8192x1024xf32, #tpu.memory_space<hbm>>) target(%dma_start3A_26 : memref<16x1024xf32, #tpu.memory_space<vmem>>) offsets(%dma_start3A_28 : memref<16xi32, #tpu.memory_space<vmem>>) semaphore(%arg11 : memref<!tpu.dma_semaphore, #tpu.memory_space<semaphore_mem>>)
    %dma_start3A_32 = arith.constant 1 : i32
    %dma_start3A_33 = arith.constant 0 : i32
    %dma_start3A_34 = arith.constant 0 : i32
    %dma_start3A_35 = tpu.memref_slice %arg9[%dma_start3A_32, %dma_start3A_33, %dma_start3A_34] : memref<2x16x1024xf32, #tpu.memory_space<vmem>> -> memref<1x16x1024xf32, #tpu.memory_space<vmem>>
    %dma_start3A_36 = tpu.memref_squeeze %dma_start3A_35 : memref<1x16x1024xf32, #tpu.memory_space<vmem>> -> memref<16x1024xf32, #tpu.memory_space<vmem>>
    %dma_start3A_37 = arith.constant 16 : i32
    %dma_start3A_38 = tpu.memref_slice %arg7[%dma_start3A_37] : memref<128xi32, #tpu.memory_space<vmem>> -> memref<16xi32, #tpu.memory_space<vmem>>
    %dma_start3A_39 = arith.constant 0 : i32
    %dma_start3A_40 = arith.constant 0 : i32
    %dma_start3A_41 = tpu.memref_slice %arg3[%dma_start3A_39, %dma_start3A_40] : memref<8192x1024xf32, #tpu.memory_space<hbm>> -> memref<8192x1024xf32, #tpu.memory_space<hbm>>
    tpu.enqueue_indirect_dma source(%dma_start3A_41 : memref<8192x1024xf32, #tpu.memory_space<hbm>>) target(%dma_start3A_36 : memref<16x1024xf32, #tpu.memory_space<vmem>>) offsets(%dma_start3A_38 : memref<16xi32, #tpu.memory_space<vmem>>) semaphore(%arg13 : memref<!tpu.dma_semaphore, #tpu.memory_space<semaphore_mem>>)
    %add3A_42 = arith.constant 0 : i32
    %add3A_43 = arith.addi %mul3A_2, %add3A_42 : i32
    %dma_wait3A = arith.constant 0 : i32
    %dma_wait3A_44 = arith.constant 0 : i32
    %dma_wait3A_45 = arith.constant 0 : i32
    %dma_wait3A_46 = tpu.memref_slice %arg8[%dma_wait3A, %dma_wait3A_44, %dma_wait3A_45] : memref<2x16x1024xf32, #tpu.memory_space<vmem>> -> memref<1x16x1024xf32, #tpu.memory_space<vmem>>
    %dma_wait3A_47 = tpu.memref_squeeze %dma_wait3A_46 : memref<1x16x1024xf32, #tpu.memory_space<vmem>> -> memref<16x1024xf32, #tpu.memory_space<vmem>>
    %dma_wait3A_48 = arith.constant 0 : i32
    %dma_wait3A_49 = tpu.memref_slice %arg7[%dma_wait3A_48] : memref<128xi32, #tpu.memory_space<vmem>> -> memref<16xi32, #tpu.memory_space<vmem>>
    %dma_wait3A_50 = arith.constant 0 : i32
    %dma_wait3A_51 = arith.constant 0 : i32
    %dma_wait3A_52 = tpu.memref_slice %arg2[%dma_wait3A_50, %dma_wait3A_51] : memref<8192x1024xf32, #tpu.memory_space<hbm>> -> memref<8192x1024xf32, #tpu.memory_space<hbm>>
    tpu.wait_indirect_dma semaphore(%arg10 : memref<!tpu.dma_semaphore, #tpu.memory_space<semaphore_mem>>) src(%dma_wait3A_52 : memref<8192x1024xf32, #tpu.memory_space<hbm>>) dst(%dma_wait3A_47 : memref<16x1024xf32, #tpu.memory_space<vmem>>)
    %dma_start3A_53 = arith.constant 0 : i32
    %dma_start3A_54 = arith.constant 0 : i32
    %dma_start3A_55 = arith.constant 0 : i32
    %dma_start3A_56 = tpu.memref_slice %arg8[%dma_start3A_53, %dma_start3A_54, %dma_start3A_55] : memref<2x16x1024xf32, #tpu.memory_space<vmem>> -> memref<1x16x1024xf32, #tpu.memory_space<vmem>>
    %dma_start3A_57 = tpu.memref_squeeze %dma_start3A_56 : memref<1x16x1024xf32, #tpu.memory_space<vmem>> -> memref<16x1024xf32, #tpu.memory_space<vmem>>
    %dma_start3A_58 = arith.constant 0 : i32
    %dma_start3A_59 = tpu.memref_slice %arg5[%add3A_43, %dma_start3A_58] : memref<4096x1024xf32, #tpu.memory_space<hbm>> -> memref<16x1024xf32, #tpu.memory_space<hbm>>
    %dma_start3A_60 = arith.constant 0 : i32
    %dma_start3A_61 = tpu.memref_slice %arg5[%add3A_43, %dma_start3A_60] : memref<4096x1024xf32, #tpu.memory_space<hbm>> -> memref<16x1024xf32, #tpu.memory_space<hbm>>
    %dma_start3A_62 = arith.constant 0 : i32
    %dma_start3A_63 = arith.constant 0 : i32
    %dma_start3A_64 = tpu.memref_slice %arg8[%dma_start3A_53, %dma_start3A_62, %dma_start3A_63] : memref<2x16x1024xf32, #tpu.memory_space<vmem>> -> memref<1x16x1024xf32, #tpu.memory_space<vmem>>
    %dma_start3A_65 = tpu.memref_squeeze %dma_start3A_64 : memref<1x16x1024xf32, #tpu.memory_space<vmem>> -> memref<16x1024xf32, #tpu.memory_space<vmem>>
    tpu.enqueue_dma source(%dma_start3A_65 : memref<16x1024xf32, #tpu.memory_space<vmem>>) target(%dma_start3A_61 : memref<16x1024xf32, #tpu.memory_space<hbm>>) target_semaphore(%arg14 : memref<!tpu.dma_semaphore, #tpu.memory_space<semaphore_mem>>)
    %dma_wait3A_66 = arith.constant 0 : i32
    %dma_wait3A_67 = arith.constant 0 : i32
    %dma_wait3A_68 = arith.constant 0 : i32
    %dma_wait3A_69 = tpu.memref_slice %arg9[%dma_wait3A_66, %dma_wait3A_67, %dma_wait3A_68] : memref<2x16x1024xf32, #tpu.memory_space<vmem>> -> memref<1x16x1024xf32, #tpu.memory_space<vmem>>
    %dma_wait3A_70 = tpu.memref_squeeze %dma_wait3A_69 : memref<1x16x1024xf32, #tpu.memory_space<vmem>> -> memref<16x1024xf32, #tpu.memory_space<vmem>>
    %dma_wait3A_71 = arith.constant 0 : i32
    %dma_wait3A_72 = tpu.memref_slice %arg7[%dma_wait3A_71] : memref<128xi32, #tpu.memory_space<vmem>> -> memref<16xi32, #tpu.memory_space<vmem>>
    %dma_wait3A_73 = arith.constant 0 : i32
    %dma_wait3A_74 = arith.constant 0 : i32
    %dma_wait3A_75 = tpu.memref_slice %arg3[%dma_wait3A_73, %dma_wait3A_74] : memref<8192x1024xf32, #tpu.memory_space<hbm>> -> memref<8192x1024xf32, #tpu.memory_space<hbm>>
    tpu.wait_indirect_dma semaphore(%arg12 : memref<!tpu.dma_semaphore, #tpu.memory_space<semaphore_mem>>) src(%dma_wait3A_75 : memref<8192x1024xf32, #tpu.memory_space<hbm>>) dst(%dma_wait3A_70 : memref<16x1024xf32, #tpu.memory_space<vmem>>)
    %dma_start3A_76 = arith.constant 0 : i32
    %dma_start3A_77 = arith.constant 0 : i32
    %dma_start3A_78 = arith.constant 0 : i32
    %dma_start3A_79 = tpu.memref_slice %arg9[%dma_start3A_76, %dma_start3A_77, %dma_start3A_78] : memref<2x16x1024xf32, #tpu.memory_space<vmem>> -> memref<1x16x1024xf32, #tpu.memory_space<vmem>>
    %dma_start3A_80 = tpu.memref_squeeze %dma_start3A_79 : memref<1x16x1024xf32, #tpu.memory_space<vmem>> -> memref<16x1024xf32, #tpu.memory_space<vmem>>
    %dma_start3A_81 = arith.constant 0 : i32
    %dma_start3A_82 = tpu.memref_slice %arg6[%add3A_43, %dma_start3A_81] : memref<4096x1024xf32, #tpu.memory_space<hbm>> -> memref<16x1024xf32, #tpu.memory_space<hbm>>
    %dma_start3A_83 = arith.constant 0 : i32
    %dma_start3A_84 = tpu.memref_slice %arg6[%add3A_43, %dma_start3A_83] : memref<4096x1024xf32, #tpu.memory_space<hbm>> -> memref<16x1024xf32, #tpu.memory_space<hbm>>
    %dma_start3A_85 = arith.constant 0 : i32
    %dma_start3A_86 = arith.constant 0 : i32
    %dma_start3A_87 = tpu.memref_slice %arg9[%dma_start3A_76, %dma_start3A_85, %dma_start3A_86] : memref<2x16x1024xf32, #tpu.memory_space<vmem>> -> memref<1x16x1024xf32, #tpu.memory_space<vmem>>
    %dma_start3A_88 = tpu.memref_squeeze %dma_start3A_87 : memref<1x16x1024xf32, #tpu.memory_space<vmem>> -> memref<16x1024xf32, #tpu.memory_space<vmem>>
    tpu.enqueue_dma source(%dma_start3A_88 : memref<16x1024xf32, #tpu.memory_space<vmem>>) target(%dma_start3A_84 : memref<16x1024xf32, #tpu.memory_space<hbm>>) target_semaphore(%arg16 : memref<!tpu.dma_semaphore, #tpu.memory_space<semaphore_mem>>)
    %dma_wait3A_89 = arith.constant 0 : i32
    %dma_wait3A_90 = arith.constant 0 : i32
    %dma_wait3A_91 = arith.constant 0 : i32
    %dma_wait3A_92 = tpu.memref_slice %arg8[%dma_wait3A_89, %dma_wait3A_90, %dma_wait3A_91] : memref<2x16x1024xf32, #tpu.memory_space<vmem>> -> memref<1x16x1024xf32, #tpu.memory_space<vmem>>
    %dma_wait3A_93 = tpu.memref_squeeze %dma_wait3A_92 : memref<1x16x1024xf32, #tpu.memory_space<vmem>> -> memref<16x1024xf32, #tpu.memory_space<vmem>>
    %dma_wait3A_94 = arith.constant 0 : i32
    %dma_wait3A_95 = tpu.memref_slice %arg5[%add3A_43, %dma_wait3A_94] : memref<4096x1024xf32, #tpu.memory_space<hbm>> -> memref<16x1024xf32, #tpu.memory_space<hbm>>
    %dma_wait3A_96 = arith.constant 0 : i32
    %dma_wait3A_97 = tpu.memref_slice %arg5[%add3A_43, %dma_wait3A_96] : memref<4096x1024xf32, #tpu.memory_space<hbm>> -> memref<16x1024xf32, #tpu.memory_space<hbm>>
    %dma_wait3A_98 = arith.constant 0 : i32
    %dma_wait3A_99 = arith.constant 0 : i32
    %dma_wait3A_100 = tpu.memref_slice %arg8[%dma_wait3A_89, %dma_wait3A_98, %dma_wait3A_99] : memref<2x16x1024xf32, #tpu.memory_space<vmem>> -> memref<1x16x1024xf32, #tpu.memory_space<vmem>>
    %dma_wait3A_101 = tpu.memref_squeeze %dma_wait3A_100 : memref<1x16x1024xf32, #tpu.memory_space<vmem>> -> memref<16x1024xf32, #tpu.memory_space<vmem>>
    tpu.wait_dma2 semaphore(%arg14 : memref<!tpu.dma_semaphore, #tpu.memory_space<semaphore_mem>>) src(%dma_wait3A_101 : memref<16x1024xf32, #tpu.memory_space<vmem>>) dst(%dma_wait3A_97 : memref<16x1024xf32, #tpu.memory_space<hbm>>)
    %dma_wait3A_102 = arith.constant 0 : i32
    %dma_wait3A_103 = arith.constant 0 : i32
    %dma_wait3A_104 = arith.constant 0 : i32
    %dma_wait3A_105 = tpu.memref_slice %arg9[%dma_wait3A_102, %dma_wait3A_103, %dma_wait3A_104] : memref<2x16x1024xf32, #tpu.memory_space<vmem>> -> memref<1x16x1024xf32, #tpu.memory_space<vmem>>
    %dma_wait3A_106 = tpu.memref_squeeze %dma_wait3A_105 : memref<1x16x1024xf32, #tpu.memory_space<vmem>> -> memref<16x1024xf32, #tpu.memory_space<vmem>>
    %dma_wait3A_107 = arith.constant 0 : i32
    %dma_wait3A_108 = tpu.memref_slice %arg6[%add3A_43, %dma_wait3A_107] : memref<4096x1024xf32, #tpu.memory_space<hbm>> -> memref<16x1024xf32, #tpu.memory_space<hbm>>
    %dma_wait3A_109 = arith.constant 0 : i32
    %dma_wait3A_110 = tpu.memref_slice %arg6[%add3A_43, %dma_wait3A_109] : memref<4096x1024xf32, #tpu.memory_space<hbm>> -> memref<16x1024xf32, #tpu.memory_space<hbm>>
    %dma_wait3A_111 = arith.constant 0 : i32
    %dma_wait3A_112 = arith.constant 0 : i32
    %dma_wait3A_113 = tpu.memref_slice %arg9[%dma_wait3A_102, %dma_wait3A_111, %dma_wait3A_112] : memref<2x16x1024xf32, #tpu.memory_space<vmem>> -> memref<1x16x1024xf32, #tpu.memory_space<vmem>>
    %dma_wait3A_114 = tpu.memref_squeeze %dma_wait3A_113 : memref<1x16x1024xf32, #tpu.memory_space<vmem>> -> memref<16x1024xf32, #tpu.memory_space<vmem>>
    tpu.wait_dma2 semaphore(%arg16 : memref<!tpu.dma_semaphore, #tpu.memory_space<semaphore_mem>>) src(%dma_wait3A_114 : memref<16x1024xf32, #tpu.memory_space<vmem>>) dst(%dma_wait3A_110 : memref<16x1024xf32, #tpu.memory_space<hbm>>)
    %dma_start3A_115 = arith.constant 0 : i32
    %dma_start3A_116 = arith.constant 0 : i32
    %dma_start3A_117 = arith.constant 0 : i32
    %dma_start3A_118 = tpu.memref_slice %arg8[%dma_start3A_115, %dma_start3A_116, %dma_start3A_117] : memref<2x16x1024xf32, #tpu.memory_space<vmem>> -> memref<1x16x1024xf32, #tpu.memory_space<vmem>>
    %dma_start3A_119 = tpu.memref_squeeze %dma_start3A_118 : memref<1x16x1024xf32, #tpu.memory_space<vmem>> -> memref<16x1024xf32, #tpu.memory_space<vmem>>
    %dma_start3A_120 = arith.constant 32 : i32
    %dma_start3A_121 = tpu.memref_slice %arg7[%dma_start3A_120] : memref<128xi32, #tpu.memory_space<vmem>> -> memref<16xi32, #tpu.memory_space<vmem>>
    %dma_start3A_122 = arith.constant 0 : i32
    %dma_start3A_123 = arith.constant 0 : i32
    %dma_start3A_124 = tpu.memref_slice %arg2[%dma_start3A_122, %dma_start3A_123] : memref<8192x1024xf32, #tpu.memory_space<hbm>> -> memref<8192x1024xf32, #tpu.memory_space<hbm>>
    tpu.enqueue_indirect_dma source(%dma_start3A_124 : memref<8192x1024xf32, #tpu.memory_space<hbm>>) target(%dma_start3A_119 : memref<16x1024xf32, #tpu.memory_space<vmem>>) offsets(%dma_start3A_121 : memref<16xi32, #tpu.memory_space<vmem>>) semaphore(%arg10 : memref<!tpu.dma_semaphore, #tpu.memory_space<semaphore_mem>>)
    %dma_start3A_125 = arith.constant 0 : i32
    %dma_start3A_126 = arith.constant 0 : i32
    %dma_start3A_127 = arith.constant 0 : i32
    %dma_start3A_128 = tpu.memref_slice %arg9[%dma_start3A_125, %dma_start3A_126, %dma_start3A_127] : memref<2x16x1024xf32, #tpu.memory_space<vmem>> -> memref<1x16x1024xf32, #tpu.memory_space<vmem>>
    %dma_start3A_129 = tpu.memref_squeeze %dma_start3A_128 : memref<1x16x1024xf32, #tpu.memory_space<vmem>> -> memref<16x1024xf32, #tpu.memory_space<vmem>>
    %dma_start3A_130 = arith.constant 32 : i32
    %dma_start3A_131 = tpu.memref_slice %arg7[%dma_start3A_130] : memref<128xi32, #tpu.memory_space<vmem>> -> memref<16xi32, #tpu.memory_space<vmem>>
    %dma_start3A_132 = arith.constant 0 : i32
    %dma_start3A_133 = arith.constant 0 : i32
    %dma_start3A_134 = tpu.memref_slice %arg3[%dma_start3A_132, %dma_start3A_133] : memref<8192x1024xf32, #tpu.memory_space<hbm>> -> memref<8192x1024xf32, #tpu.memory_space<hbm>>
    tpu.enqueue_indirect_dma source(%dma_start3A_134 : memref<8192x1024xf32, #tpu.memory_space<hbm>>) target(%dma_start3A_129 : memref<16x1024xf32, #tpu.memory_space<vmem>>) offsets(%dma_start3A_131 : memref<16xi32, #tpu.memory_space<vmem>>) semaphore(%arg12 : memref<!tpu.dma_semaphore, #tpu.memory_space<semaphore_mem>>)
    %add3A_135 = arith.constant 16 : i32
    %add3A_136 = arith.addi %mul3A_2, %add3A_135 : i32
    %dma_wait3A_137 = arith.constant 1 : i32
    %dma_wait3A_138 = arith.constant 0 : i32
    %dma_wait3A_139 = arith.constant 0 : i32
    %dma_wait3A_140 = tpu.memref_slice %arg8[%dma_wait3A_137, %dma_wait3A_138, %dma_wait3A_139] : memref<2x16x1024xf32, #tpu.memory_space<vmem>> -> memref<1x16x1024xf32, #tpu.memory_space<vmem>>
    %dma_wait3A_141 = tpu.memref_squeeze %dma_wait3A_140 : memref<1x16x1024xf32, #tpu.memory_space<vmem>> -> memref<16x1024xf32, #tpu.memory_space<vmem>>
    %dma_wait3A_142 = arith.constant 16 : i32
    %dma_wait3A_143 = tpu.memref_slice %arg7[%dma_wait3A_142] : memref<128xi32, #tpu.memory_space<vmem>> -> memref<16xi32, #tpu.memory_space<vmem>>
    %dma_wait3A_144 = arith.constant 0 : i32
    %dma_wait3A_145 = arith.constant 0 : i32
    %dma_wait3A_146 = tpu.memref_slice %arg2[%dma_wait3A_144, %dma_wait3A_145] : memref<8192x1024xf32, #tpu.memory_space<hbm>> -> memref<8192x1024xf32, #tpu.memory_space<hbm>>
    tpu.wait_indirect_dma semaphore(%arg11 : memref<!tpu.dma_semaphore, #tpu.memory_space<semaphore_mem>>) src(%dma_wait3A_146 : memref<8192x1024xf32, #tpu.memory_space<hbm>>) dst(%dma_wait3A_141 : memref<16x1024xf32, #tpu.memory_space<vmem>>)
    %dma_start3A_147 = arith.constant 1 : i32
    %dma_start3A_148 = arith.constant 0 : i32
    %dma_start3A_149 = arith.constant 0 : i32
    %dma_start3A_150 = tpu.memref_slice %arg8[%dma_start3A_147, %dma_start3A_148, %dma_start3A_149] : memref<2x16x1024xf32, #tpu.memory_space<vmem>> -> memref<1x16x1024xf32, #tpu.memory_space<vmem>>
    %dma_start3A_151 = tpu.memref_squeeze %dma_start3A_150 : memref<1x16x1024xf32, #tpu.memory_space<vmem>> -> memref<16x1024xf32, #tpu.memory_space<vmem>>
    %dma_start3A_152 = arith.constant 0 : i32
    %dma_start3A_153 = tpu.memref_slice %arg5[%add3A_136, %dma_start3A_152] : memref<4096x1024xf32, #tpu.memory_space<hbm>> -> memref<16x1024xf32, #tpu.memory_space<hbm>>
    %dma_start3A_154 = arith.constant 0 : i32
    %dma_start3A_155 = tpu.memref_slice %arg5[%add3A_136, %dma_start3A_154] : memref<4096x1024xf32, #tpu.memory_space<hbm>> -> memref<16x1024xf32, #tpu.memory_space<hbm>>
    %dma_start3A_156 = arith.constant 0 : i32
    %dma_start3A_157 = arith.constant 0 : i32
    %dma_start3A_158 = tpu.memref_slice %arg8[%dma_start3A_147, %dma_start3A_156, %dma_start3A_157] : memref<2x16x1024xf32, #tpu.memory_space<vmem>> -> memref<1x16x1024xf32, #tpu.memory_space<vmem>>
    %dma_start3A_159 = tpu.memref_squeeze %dma_start3A_158 : memref<1x16x1024xf32, #tpu.memory_space<vmem>> -> memref<16x1024xf32, #tpu.memory_space<vmem>>
    tpu.enqueue_dma source(%dma_start3A_159 : memref<16x1024xf32, #tpu.memory_space<vmem>>) target(%dma_start3A_155 : memref<16x1024xf32, #tpu.memory_space<hbm>>) target_semaphore(%arg15 : memref<!tpu.dma_semaphore, #tpu.memory_space<semaphore_mem>>)
    %dma_wait3A_160 = arith.constant 1 : i32
    %dma_wait3A_161 = arith.constant 0 : i32
    %dma_wait3A_162 = arith.constant 0 : i32
    %dma_wait3A_163 = tpu.memref_slice %arg9[%dma_wait3A_160, %dma_wait3A_161, %dma_wait3A_162] : memref<2x16x1024xf32, #tpu.memory_space<vmem>> -> memref<1x16x1024xf32, #tpu.memory_space<vmem>>
    %dma_wait3A_164 = tpu.memref_squeeze %dma_wait3A_163 : memref<1x16x1024xf32, #tpu.memory_space<vmem>> -> memref<16x1024xf32, #tpu.memory_space<vmem>>
    %dma_wait3A_165 = arith.constant 16 : i32
    %dma_wait3A_166 = tpu.memref_slice %arg7[%dma_wait3A_165] : memref<128xi32, #tpu.memory_space<vmem>> -> memref<16xi32, #tpu.memory_space<vmem>>
    %dma_wait3A_167 = arith.constant 0 : i32
    %dma_wait3A_168 = arith.constant 0 : i32
    %dma_wait3A_169 = tpu.memref_slice %arg3[%dma_wait3A_167, %dma_wait3A_168] : memref<8192x1024xf32, #tpu.memory_space<hbm>> -> memref<8192x1024xf32, #tpu.memory_space<hbm>>
    tpu.wait_indirect_dma semaphore(%arg13 : memref<!tpu.dma_semaphore, #tpu.memory_space<semaphore_mem>>) src(%dma_wait3A_169 : memref<8192x1024xf32, #tpu.memory_space<hbm>>) dst(%dma_wait3A_164 : memref<16x1024xf32, #tpu.memory_space<vmem>>)
    %dma_start3A_170 = arith.constant 1 : i32
    %dma_start3A_171 = arith.constant 0 : i32
    %dma_start3A_172 = arith.constant 0 : i32
    %dma_start3A_173 = tpu.memref_slice %arg9[%dma_start3A_170, %dma_start3A_171, %dma_start3A_172] : memref<2x16x1024xf32, #tpu.memory_space<vmem>> -> memref<1x16x1024xf32, #tpu.memory_space<vmem>>
    %dma_start3A_174 = tpu.memref_squeeze %dma_start3A_173 : memref<1x16x1024xf32, #tpu.memory_space<vmem>> -> memref<16x1024xf32, #tpu.memory_space<vmem>>
    %dma_start3A_175 = arith.constant 0 : i32
    %dma_start3A_176 = tpu.memref_slice %arg6[%add3A_136, %dma_start3A_175] : memref<4096x1024xf32, #tpu.memory_space<hbm>> -> memref<16x1024xf32, #tpu.memory_space<hbm>>
    %dma_start3A_177 = arith.constant 0 : i32
    %dma_start3A_178 = tpu.memref_slice %arg6[%add3A_136, %dma_start3A_177] : memref<4096x1024xf32, #tpu.memory_space<hbm>> -> memref<16x1024xf32, #tpu.memory_space<hbm>>
    %dma_start3A_179 = arith.constant 0 : i32
    %dma_start3A_180 = arith.constant 0 : i32
    %dma_start3A_181 = tpu.memref_slice %arg9[%dma_start3A_170, %dma_start3A_179, %dma_start3A_180] : memref<2x16x1024xf32, #tpu.memory_space<vmem>> -> memref<1x16x1024xf32, #tpu.memory_space<vmem>>
    %dma_start3A_182 = tpu.memref_squeeze %dma_start3A_181 : memref<1x16x1024xf32, #tpu.memory_space<vmem>> -> memref<16x1024xf32, #tpu.memory_space<vmem>>
    tpu.enqueue_dma source(%dma_start3A_182 : memref<16x1024xf32, #tpu.memory_space<vmem>>) target(%dma_start3A_178 : memref<16x1024xf32, #tpu.memory_space<hbm>>) target_semaphore(%arg17 : memref<!tpu.dma_semaphore, #tpu.memory_space<semaphore_mem>>)
    %dma_wait3A_183 = arith.constant 1 : i32
    %dma_wait3A_184 = arith.constant 0 : i32
    %dma_wait3A_185 = arith.constant 0 : i32
    %dma_wait3A_186 = tpu.memref_slice %arg8[%dma_wait3A_183, %dma_wait3A_184, %dma_wait3A_185] : memref<2x16x1024xf32, #tpu.memory_space<vmem>> -> memref<1x16x1024xf32, #tpu.memory_space<vmem>>
    %dma_wait3A_187 = tpu.memref_squeeze %dma_wait3A_186 : memref<1x16x1024xf32, #tpu.memory_space<vmem>> -> memref<16x1024xf32, #tpu.memory_space<vmem>>
    %dma_wait3A_188 = arith.constant 0 : i32
    %dma_wait3A_189 = tpu.memref_slice %arg5[%add3A_136, %dma_wait3A_188] : memref<4096x1024xf32, #tpu.memory_space<hbm>> -> memref<16x1024xf32, #tpu.memory_space<hbm>>
    %dma_wait3A_190 = arith.constant 0 : i32
    %dma_wait3A_191 = tpu.memref_slice %arg5[%add3A_136, %dma_wait3A_190] : memref<4096x1024xf32, #tpu.memory_space<hbm>> -> memref<16x1024xf32, #tpu.memory_space<hbm>>
    %dma_wait3A_192 = arith.constant 0 : i32
    %dma_wait3A_193 = arith.constant 0 : i32
    %dma_wait3A_194 = tpu.memref_slice %arg8[%dma_wait3A_183, %dma_wait3A_192, %dma_wait3A_193] : memref<2x16x1024xf32, #tpu.memory_space<vmem>> -> memref<1x16x1024xf32, #tpu.memory_space<vmem>>
    %dma_wait3A_195 = tpu.memref_squeeze %dma_wait3A_194 : memref<1x16x1024xf32, #tpu.memory_space<vmem>> -> memref<16x1024xf32, #tpu.memory_space<vmem>>
    tpu.wait_dma2 semaphore(%arg15 : memref<!tpu.dma_semaphore, #tpu.memory_space<semaphore_mem>>) src(%dma_wait3A_195 : memref<16x1024xf32, #tpu.memory_space<vmem>>) dst(%dma_wait3A_191 : memref<16x1024xf32, #tpu.memory_space<hbm>>)
    %dma_wait3A_196 = arith.constant 1 : i32
    %dma_wait3A_197 = arith.constant 0 : i32
    %dma_wait3A_198 = arith.constant 0 : i32
    %dma_wait3A_199 = tpu.memref_slice %arg9[%dma_wait3A_196, %dma_wait3A_197, %dma_wait3A_198] : memref<2x16x1024xf32, #tpu.memory_space<vmem>> -> memref<1x16x1024xf32, #tpu.memory_space<vmem>>
    %dma_wait3A_200 = tpu.memref_squeeze %dma_wait3A_199 : memref<1x16x1024xf32, #tpu.memory_space<vmem>> -> memref<16x1024xf32, #tpu.memory_space<vmem>>
    %dma_wait3A_201 = arith.constant 0 : i32
    %dma_wait3A_202 = tpu.memref_slice %arg6[%add3A_136, %dma_wait3A_201] : memref<4096x1024xf32, #tpu.memory_space<hbm>> -> memref<16x1024xf32, #tpu.memory_space<hbm>>
    %dma_wait3A_203 = arith.constant 0 : i32
    %dma_wait3A_204 = tpu.memref_slice %arg6[%add3A_136, %dma_wait3A_203] : memref<4096x1024xf32, #tpu.memory_space<hbm>> -> memref<16x1024xf32, #tpu.memory_space<hbm>>
    %dma_wait3A_205 = arith.constant 0 : i32
    %dma_wait3A_206 = arith.constant 0 : i32
    %dma_wait3A_207 = tpu.memref_slice %arg9[%dma_wait3A_196, %dma_wait3A_205, %dma_wait3A_206] : memref<2x16x1024xf32, #tpu.memory_space<vmem>> -> memref<1x16x1024xf32, #tpu.memory_space<vmem>>
    %dma_wait3A_208 = tpu.memref_squeeze %dma_wait3A_207 : memref<1x16x1024xf32, #tpu.memory_space<vmem>> -> memref<16x1024xf32, #tpu.memory_space<vmem>>
    tpu.wait_dma2 semaphore(%arg17 : memref<!tpu.dma_semaphore, #tpu.memory_space<semaphore_mem>>) src(%dma_wait3A_208 : memref<16x1024xf32, #tpu.memory_space<vmem>>) dst(%dma_wait3A_204 : memref<16x1024xf32, #tpu.memory_space<hbm>>)
    %dma_start3A_209 = arith.constant 1 : i32
    %dma_start3A_210 = arith.constant 0 : i32
    %dma_start3A_211 = arith.constant 0 : i32
    %dma_start3A_212 = tpu.memref_slice %arg8[%dma_start3A_209, %dma_start3A_210, %dma_start3A_211] : memref<2x16x1024xf32, #tpu.memory_space<vmem>> -> memref<1x16x1024xf32, #tpu.memory_space<vmem>>
    %dma_start3A_213 = tpu.memref_squeeze %dma_start3A_212 : memref<1x16x1024xf32, #tpu.memory_space<vmem>> -> memref<16x1024xf32, #tpu.memory_space<vmem>>
    %dma_start3A_214 = arith.constant 48 : i32
    %dma_start3A_215 = tpu.memref_slice %arg7[%dma_start3A_214] : memref<128xi32, #tpu.memory_space<vmem>> -> memref<16xi32, #tpu.memory_space<vmem>>
    %dma_start3A_216 = arith.constant 0 : i32
    %dma_start3A_217 = arith.constant 0 : i32
    %dma_start3A_218 = tpu.memref_slice %arg2[%dma_start3A_216, %dma_start3A_217] : memref<8192x1024xf32, #tpu.memory_space<hbm>> -> memref<8192x1024xf32, #tpu.memory_space<hbm>>
    tpu.enqueue_indirect_dma source(%dma_start3A_218 : memref<8192x1024xf32, #tpu.memory_space<hbm>>) target(%dma_start3A_213 : memref<16x1024xf32, #tpu.memory_space<vmem>>) offsets(%dma_start3A_215 : memref<16xi32, #tpu.memory_space<vmem>>) semaphore(%arg11 : memref<!tpu.dma_semaphore, #tpu.memory_space<semaphore_mem>>)
    %dma_start3A_219 = arith.constant 1 : i32
    %dma_start3A_220 = arith.constant 0 : i32
    %dma_start3A_221 = arith.constant 0 : i32
    %dma_start3A_222 = tpu.memref_slice %arg9[%dma_start3A_219, %dma_start3A_220, %dma_start3A_221] : memref<2x16x1024xf32, #tpu.memory_space<vmem>> -> memref<1x16x1024xf32, #tpu.memory_space<vmem>>
    %dma_start3A_223 = tpu.memref_squeeze %dma_start3A_222 : memref<1x16x1024xf32, #tpu.memory_space<vmem>> -> memref<16x1024xf32, #tpu.memory_space<vmem>>
    %dma_start3A_224 = arith.constant 48 : i32
    %dma_start3A_225 = tpu.memref_slice %arg7[%dma_start3A_224] : memref<128xi32, #tpu.memory_space<vmem>> -> memref<16xi32, #tpu.memory_space<vmem>>
    %dma_start3A_226 = arith.constant 0 : i32
    %dma_start3A_227 = arith.constant 0 : i32
    %dma_start3A_228 = tpu.memref_slice %arg3[%dma_start3A_226, %dma_start3A_227] : memref<8192x1024xf32, #tpu.memory_space<hbm>> -> memref<8192x1024xf32, #tpu.memory_space<hbm>>
    tpu.enqueue_indirect_dma source(%dma_start3A_228 : memref<8192x1024xf32, #tpu.memory_space<hbm>>) target(%dma_start3A_223 : memref<16x1024xf32, #tpu.memory_space<vmem>>) offsets(%dma_start3A_225 : memref<16xi32, #tpu.memory_space<vmem>>) semaphore(%arg13 : memref<!tpu.dma_semaphore, #tpu.memory_space<semaphore_mem>>)
    %add3A_229 = arith.constant 32 : i32
    %add3A_230 = arith.addi %mul3A_2, %add3A_229 : i32
    %dma_wait3A_231 = arith.constant 0 : i32
    %dma_wait3A_232 = arith.constant 0 : i32
    %dma_wait3A_233 = arith.constant 0 : i32
    %dma_wait3A_234 = tpu.memref_slice %arg8[%dma_wait3A_231, %dma_wait3A_232, %dma_wait3A_233] : memref<2x16x1024xf32, #tpu.memory_space<vmem>> -> memref<1x16x1024xf32, #tpu.memory_space<vmem>>
    %dma_wait3A_235 = tpu.memref_squeeze %dma_wait3A_234 : memref<1x16x1024xf32, #tpu.memory_space<vmem>> -> memref<16x1024xf32, #tpu.memory_space<vmem>>
    %dma_wait3A_236 = arith.constant 32 : i32
    %dma_wait3A_237 = tpu.memref_slice %arg7[%dma_wait3A_236] : memref<128xi32, #tpu.memory_space<vmem>> -> memref<16xi32, #tpu.memory_space<vmem>>
    %dma_wait3A_238 = arith.constant 0 : i32
    %dma_wait3A_239 = arith.constant 0 : i32
    %dma_wait3A_240 = tpu.memref_slice %arg2[%dma_wait3A_238, %dma_wait3A_239] : memref<8192x1024xf32, #tpu.memory_space<hbm>> -> memref<8192x1024xf32, #tpu.memory_space<hbm>>
    tpu.wait_indirect_dma semaphore(%arg10 : memref<!tpu.dma_semaphore, #tpu.memory_space<semaphore_mem>>) src(%dma_wait3A_240 : memref<8192x1024xf32, #tpu.memory_space<hbm>>) dst(%dma_wait3A_235 : memref<16x1024xf32, #tpu.memory_space<vmem>>)
    %dma_start3A_241 = arith.constant 0 : i32
    %dma_start3A_242 = arith.constant 0 : i32
    %dma_start3A_243 = arith.constant 0 : i32
    %dma_start3A_244 = tpu.memref_slice %arg8[%dma_start3A_241, %dma_start3A_242, %dma_start3A_243] : memref<2x16x1024xf32, #tpu.memory_space<vmem>> -> memref<1x16x1024xf32, #tpu.memory_space<vmem>>
    %dma_start3A_245 = tpu.memref_squeeze %dma_start3A_244 : memref<1x16x1024xf32, #tpu.memory_space<vmem>> -> memref<16x1024xf32, #tpu.memory_space<vmem>>
    %dma_start3A_246 = arith.constant 0 : i32
    %dma_start3A_247 = tpu.memref_slice %arg5[%add3A_230, %dma_start3A_246] : memref<4096x1024xf32, #tpu.memory_space<hbm>> -> memref<16x1024xf32, #tpu.memory_space<hbm>>
    %dma_start3A_248 = arith.constant 0 : i32
    %dma_start3A_249 = tpu.memref_slice %arg5[%add3A_230, %dma_start3A_248] : memref<4096x1024xf32, #tpu.memory_space<hbm>> -> memref<16x1024xf32, #tpu.memory_space<hbm>>
    %dma_start3A_250 = arith.constant 0 : i32
    %dma_start3A_251 = arith.constant 0 : i32
    %dma_start3A_252 = tpu.memref_slice %arg8[%dma_start3A_241, %dma_start3A_250, %dma_start3A_251] : memref<2x16x1024xf32, #tpu.memory_space<vmem>> -> memref<1x16x1024xf32, #tpu.memory_space<vmem>>
    %dma_start3A_253 = tpu.memref_squeeze %dma_start3A_252 : memref<1x16x1024xf32, #tpu.memory_space<vmem>> -> memref<16x1024xf32, #tpu.memory_space<vmem>>
    tpu.enqueue_dma source(%dma_start3A_253 : memref<16x1024xf32, #tpu.memory_space<vmem>>) target(%dma_start3A_249 : memref<16x1024xf32, #tpu.memory_space<hbm>>) target_semaphore(%arg14 : memref<!tpu.dma_semaphore, #tpu.memory_space<semaphore_mem>>)
    %dma_wait3A_254 = arith.constant 0 : i32
    %dma_wait3A_255 = arith.constant 0 : i32
    %dma_wait3A_256 = arith.constant 0 : i32
    %dma_wait3A_257 = tpu.memref_slice %arg9[%dma_wait3A_254, %dma_wait3A_255, %dma_wait3A_256] : memref<2x16x1024xf32, #tpu.memory_space<vmem>> -> memref<1x16x1024xf32, #tpu.memory_space<vmem>>
    %dma_wait3A_258 = tpu.memref_squeeze %dma_wait3A_257 : memref<1x16x1024xf32, #tpu.memory_space<vmem>> -> memref<16x1024xf32, #tpu.memory_space<vmem>>
    %dma_wait3A_259 = arith.constant 32 : i32
    %dma_wait3A_260 = tpu.memref_slice %arg7[%dma_wait3A_259] : memref<128xi32, #tpu.memory_space<vmem>> -> memref<16xi32, #tpu.memory_space<vmem>>
    %dma_wait3A_261 = arith.constant 0 : i32
    %dma_wait3A_262 = arith.constant 0 : i32
    %dma_wait3A_263 = tpu.memref_slice %arg3[%dma_wait3A_261, %dma_wait3A_262] : memref<8192x1024xf32, #tpu.memory_space<hbm>> -> memref<8192x1024xf32, #tpu.memory_space<hbm>>
    tpu.wait_indirect_dma semaphore(%arg12 : memref<!tpu.dma_semaphore, #tpu.memory_space<semaphore_mem>>) src(%dma_wait3A_263 : memref<8192x1024xf32, #tpu.memory_space<hbm>>) dst(%dma_wait3A_258 : memref<16x1024xf32, #tpu.memory_space<vmem>>)
    %dma_start3A_264 = arith.constant 0 : i32
    %dma_start3A_265 = arith.constant 0 : i32
    %dma_start3A_266 = arith.constant 0 : i32
    %dma_start3A_267 = tpu.memref_slice %arg9[%dma_start3A_264, %dma_start3A_265, %dma_start3A_266] : memref<2x16x1024xf32, #tpu.memory_space<vmem>> -> memref<1x16x1024xf32, #tpu.memory_space<vmem>>
    %dma_start3A_268 = tpu.memref_squeeze %dma_start3A_267 : memref<1x16x1024xf32, #tpu.memory_space<vmem>> -> memref<16x1024xf32, #tpu.memory_space<vmem>>
    %dma_start3A_269 = arith.constant 0 : i32
    %dma_start3A_270 = tpu.memref_slice %arg6[%add3A_230, %dma_start3A_269] : memref<4096x1024xf32, #tpu.memory_space<hbm>> -> memref<16x1024xf32, #tpu.memory_space<hbm>>
    %dma_start3A_271 = arith.constant 0 : i32
    %dma_start3A_272 = tpu.memref_slice %arg6[%add3A_230, %dma_start3A_271] : memref<4096x1024xf32, #tpu.memory_space<hbm>> -> memref<16x1024xf32, #tpu.memory_space<hbm>>
    %dma_start3A_273 = arith.constant 0 : i32
    %dma_start3A_274 = arith.constant 0 : i32
    %dma_start3A_275 = tpu.memref_slice %arg9[%dma_start3A_264, %dma_start3A_273, %dma_start3A_274] : memref<2x16x1024xf32, #tpu.memory_space<vmem>> -> memref<1x16x1024xf32, #tpu.memory_space<vmem>>
    %dma_start3A_276 = tpu.memref_squeeze %dma_start3A_275 : memref<1x16x1024xf32, #tpu.memory_space<vmem>> -> memref<16x1024xf32, #tpu.memory_space<vmem>>
    tpu.enqueue_dma source(%dma_start3A_276 : memref<16x1024xf32, #tpu.memory_space<vmem>>) target(%dma_start3A_272 : memref<16x1024xf32, #tpu.memory_space<hbm>>) target_semaphore(%arg16 : memref<!tpu.dma_semaphore, #tpu.memory_space<semaphore_mem>>)
    %dma_wait3A_277 = arith.constant 0 : i32
    %dma_wait3A_278 = arith.constant 0 : i32
    %dma_wait3A_279 = arith.constant 0 : i32
    %dma_wait3A_280 = tpu.memref_slice %arg8[%dma_wait3A_277, %dma_wait3A_278, %dma_wait3A_279] : memref<2x16x1024xf32, #tpu.memory_space<vmem>> -> memref<1x16x1024xf32, #tpu.memory_space<vmem>>
    %dma_wait3A_281 = tpu.memref_squeeze %dma_wait3A_280 : memref<1x16x1024xf32, #tpu.memory_space<vmem>> -> memref<16x1024xf32, #tpu.memory_space<vmem>>
    %dma_wait3A_282 = arith.constant 0 : i32
    %dma_wait3A_283 = tpu.memref_slice %arg5[%add3A_230, %dma_wait3A_282] : memref<4096x1024xf32, #tpu.memory_space<hbm>> -> memref<16x1024xf32, #tpu.memory_space<hbm>>
    %dma_wait3A_284 = arith.constant 0 : i32
    %dma_wait3A_285 = tpu.memref_slice %arg5[%add3A_230, %dma_wait3A_284] : memref<4096x1024xf32, #tpu.memory_space<hbm>> -> memref<16x1024xf32, #tpu.memory_space<hbm>>
    %dma_wait3A_286 = arith.constant 0 : i32
    %dma_wait3A_287 = arith.constant 0 : i32
    %dma_wait3A_288 = tpu.memref_slice %arg8[%dma_wait3A_277, %dma_wait3A_286, %dma_wait3A_287] : memref<2x16x1024xf32, #tpu.memory_space<vmem>> -> memref<1x16x1024xf32, #tpu.memory_space<vmem>>
    %dma_wait3A_289 = tpu.memref_squeeze %dma_wait3A_288 : memref<1x16x1024xf32, #tpu.memory_space<vmem>> -> memref<16x1024xf32, #tpu.memory_space<vmem>>
    tpu.wait_dma2 semaphore(%arg14 : memref<!tpu.dma_semaphore, #tpu.memory_space<semaphore_mem>>) src(%dma_wait3A_289 : memref<16x1024xf32, #tpu.memory_space<vmem>>) dst(%dma_wait3A_285 : memref<16x1024xf32, #tpu.memory_space<hbm>>)
    %dma_wait3A_290 = arith.constant 0 : i32
    %dma_wait3A_291 = arith.constant 0 : i32
    %dma_wait3A_292 = arith.constant 0 : i32
    %dma_wait3A_293 = tpu.memref_slice %arg9[%dma_wait3A_290, %dma_wait3A_291, %dma_wait3A_292] : memref<2x16x1024xf32, #tpu.memory_space<vmem>> -> memref<1x16x1024xf32, #tpu.memory_space<vmem>>
    %dma_wait3A_294 = tpu.memref_squeeze %dma_wait3A_293 : memref<1x16x1024xf32, #tpu.memory_space<vmem>> -> memref<16x1024xf32, #tpu.memory_space<vmem>>
    %dma_wait3A_295 = arith.constant 0 : i32
    %dma_wait3A_296 = tpu.memref_slice %arg6[%add3A_230, %dma_wait3A_295] : memref<4096x1024xf32, #tpu.memory_space<hbm>> -> memref<16x1024xf32, #tpu.memory_space<hbm>>
    %dma_wait3A_297 = arith.constant 0 : i32
    %dma_wait3A_298 = tpu.memref_slice %arg6[%add3A_230, %dma_wait3A_297] : memref<4096x1024xf32, #tpu.memory_space<hbm>> -> memref<16x1024xf32, #tpu.memory_space<hbm>>
    %dma_wait3A_299 = arith.constant 0 : i32
    %dma_wait3A_300 = arith.constant 0 : i32
    %dma_wait3A_301 = tpu.memref_slice %arg9[%dma_wait3A_290, %dma_wait3A_299, %dma_wait3A_300] : memref<2x16x1024xf32, #tpu.memory_space<vmem>> -> memref<1x16x1024xf32, #tpu.memory_space<vmem>>
    %dma_wait3A_302 = tpu.memref_squeeze %dma_wait3A_301 : memref<1x16x1024xf32, #tpu.memory_space<vmem>> -> memref<16x1024xf32, #tpu.memory_space<vmem>>
    tpu.wait_dma2 semaphore(%arg16 : memref<!tpu.dma_semaphore, #tpu.memory_space<semaphore_mem>>) src(%dma_wait3A_302 : memref<16x1024xf32, #tpu.memory_space<vmem>>) dst(%dma_wait3A_298 : memref<16x1024xf32, #tpu.memory_space<hbm>>)
    %dma_start3A_303 = arith.constant 0 : i32
    %dma_start3A_304 = arith.constant 0 : i32
    %dma_start3A_305 = arith.constant 0 : i32
    %dma_start3A_306 = tpu.memref_slice %arg8[%dma_start3A_303, %dma_start3A_304, %dma_start3A_305] : memref<2x16x1024xf32, #tpu.memory_space<vmem>> -> memref<1x16x1024xf32, #tpu.memory_space<vmem>>
    %dma_start3A_307 = tpu.memref_squeeze %dma_start3A_306 : memref<1x16x1024xf32, #tpu.memory_space<vmem>> -> memref<16x1024xf32, #tpu.memory_space<vmem>>
    %dma_start3A_308 = arith.constant 64 : i32
    %dma_start3A_309 = tpu.memref_slice %arg7[%dma_start3A_308] : memref<128xi32, #tpu.memory_space<vmem>> -> memref<16xi32, #tpu.memory_space<vmem>>
    %dma_start3A_310 = arith.constant 0 : i32
    %dma_start3A_311 = arith.constant 0 : i32
    %dma_start3A_312 = tpu.memref_slice %arg2[%dma_start3A_310, %dma_start3A_311] : memref<8192x1024xf32, #tpu.memory_space<hbm>> -> memref<8192x1024xf32, #tpu.memory_space<hbm>>
    tpu.enqueue_indirect_dma source(%dma_start3A_312 : memref<8192x1024xf32, #tpu.memory_space<hbm>>) target(%dma_start3A_307 : memref<16x1024xf32, #tpu.memory_space<vmem>>) offsets(%dma_start3A_309 : memref<16xi32, #tpu.memory_space<vmem>>) semaphore(%arg10 : memref<!tpu.dma_semaphore, #tpu.memory_space<semaphore_mem>>)
    %dma_start3A_313 = arith.constant 0 : i32
    %dma_start3A_314 = arith.constant 0 : i32
    %dma_start3A_315 = arith.constant 0 : i32
    %dma_start3A_316 = tpu.memref_slice %arg9[%dma_start3A_313, %dma_start3A_314, %dma_start3A_315] : memref<2x16x1024xf32, #tpu.memory_space<vmem>> -> memref<1x16x1024xf32, #tpu.memory_space<vmem>>
    %dma_start3A_317 = tpu.memref_squeeze %dma_start3A_316 : memref<1x16x1024xf32, #tpu.memory_space<vmem>> -> memref<16x1024xf32, #tpu.memory_space<vmem>>
    %dma_start3A_318 = arith.constant 64 : i32
    %dma_start3A_319 = tpu.memref_slice %arg7[%dma_start3A_318] : memref<128xi32, #tpu.memory_space<vmem>> -> memref<16xi32, #tpu.memory_space<vmem>>
    %dma_start3A_320 = arith.constant 0 : i32
    %dma_start3A_321 = arith.constant 0 : i32
    %dma_start3A_322 = tpu.memref_slice %arg3[%dma_start3A_320, %dma_start3A_321] : memref<8192x1024xf32, #tpu.memory_space<hbm>> -> memref<8192x1024xf32, #tpu.memory_space<hbm>>
    tpu.enqueue_indirect_dma source(%dma_start3A_322 : memref<8192x1024xf32, #tpu.memory_space<hbm>>) target(%dma_start3A_317 : memref<16x1024xf32, #tpu.memory_space<vmem>>) offsets(%dma_start3A_319 : memref<16xi32, #tpu.memory_space<vmem>>) semaphore(%arg12 : memref<!tpu.dma_semaphore, #tpu.memory_space<semaphore_mem>>)
    %add3A_323 = arith.constant 48 : i32
    %add3A_324 = arith.addi %mul3A_2, %add3A_323 : i32
    %dma_wait3A_325 = arith.constant 1 : i32
    %dma_wait3A_326 = arith.constant 0 : i32
    %dma_wait3A_327 = arith.constant 0 : i32
    %dma_wait3A_328 = tpu.memref_slice %arg8[%dma_wait3A_325, %dma_wait3A_326, %dma_wait3A_327] : memref<2x16x1024xf32, #tpu.memory_space<vmem>> -> memref<1x16x1024xf32, #tpu.memory_space<vmem>>
    %dma_wait3A_329 = tpu.memref_squeeze %dma_wait3A_328 : memref<1x16x1024xf32, #tpu.memory_space<vmem>> -> memref<16x1024xf32, #tpu.memory_space<vmem>>
    %dma_wait3A_330 = arith.constant 48 : i32
    %dma_wait3A_331 = tpu.memref_slice %arg7[%dma_wait3A_330] : memref<128xi32, #tpu.memory_space<vmem>> -> memref<16xi32, #tpu.memory_space<vmem>>
    %dma_wait3A_332 = arith.constant 0 : i32
    %dma_wait3A_333 = arith.constant 0 : i32
    %dma_wait3A_334 = tpu.memref_slice %arg2[%dma_wait3A_332, %dma_wait3A_333] : memref<8192x1024xf32, #tpu.memory_space<hbm>> -> memref<8192x1024xf32, #tpu.memory_space<hbm>>
    tpu.wait_indirect_dma semaphore(%arg11 : memref<!tpu.dma_semaphore, #tpu.memory_space<semaphore_mem>>) src(%dma_wait3A_334 : memref<8192x1024xf32, #tpu.memory_space<hbm>>) dst(%dma_wait3A_329 : memref<16x1024xf32, #tpu.memory_space<vmem>>)
    %dma_start3A_335 = arith.constant 1 : i32
    %dma_start3A_336 = arith.constant 0 : i32
    %dma_start3A_337 = arith.constant 0 : i32
    %dma_start3A_338 = tpu.memref_slice %arg8[%dma_start3A_335, %dma_start3A_336, %dma_start3A_337] : memref<2x16x1024xf32, #tpu.memory_space<vmem>> -> memref<1x16x1024xf32, #tpu.memory_space<vmem>>
    %dma_start3A_339 = tpu.memref_squeeze %dma_start3A_338 : memref<1x16x1024xf32, #tpu.memory_space<vmem>> -> memref<16x1024xf32, #tpu.memory_space<vmem>>
    %dma_start3A_340 = arith.constant 0 : i32
    %dma_start3A_341 = tpu.memref_slice %arg5[%add3A_324, %dma_start3A_340] : memref<4096x1024xf32, #tpu.memory_space<hbm>> -> memref<16x1024xf32, #tpu.memory_space<hbm>>
    %dma_start3A_342 = arith.constant 0 : i32
    %dma_start3A_343 = tpu.memref_slice %arg5[%add3A_324, %dma_start3A_342] : memref<4096x1024xf32, #tpu.memory_space<hbm>> -> memref<16x1024xf32, #tpu.memory_space<hbm>>
    %dma_start3A_344 = arith.constant 0 : i32
    %dma_start3A_345 = arith.constant 0 : i32
    %dma_start3A_346 = tpu.memref_slice %arg8[%dma_start3A_335, %dma_start3A_344, %dma_start3A_345] : memref<2x16x1024xf32, #tpu.memory_space<vmem>> -> memref<1x16x1024xf32, #tpu.memory_space<vmem>>
    %dma_start3A_347 = tpu.memref_squeeze %dma_start3A_346 : memref<1x16x1024xf32, #tpu.memory_space<vmem>> -> memref<16x1024xf32, #tpu.memory_space<vmem>>
    tpu.enqueue_dma source(%dma_start3A_347 : memref<16x1024xf32, #tpu.memory_space<vmem>>) target(%dma_start3A_343 : memref<16x1024xf32, #tpu.memory_space<hbm>>) target_semaphore(%arg15 : memref<!tpu.dma_semaphore, #tpu.memory_space<semaphore_mem>>)
    %dma_wait3A_348 = arith.constant 1 : i32
    %dma_wait3A_349 = arith.constant 0 : i32
    %dma_wait3A_350 = arith.constant 0 : i32
    %dma_wait3A_351 = tpu.memref_slice %arg9[%dma_wait3A_348, %dma_wait3A_349, %dma_wait3A_350] : memref<2x16x1024xf32, #tpu.memory_space<vmem>> -> memref<1x16x1024xf32, #tpu.memory_space<vmem>>
    %dma_wait3A_352 = tpu.memref_squeeze %dma_wait3A_351 : memref<1x16x1024xf32, #tpu.memory_space<vmem>> -> memref<16x1024xf32, #tpu.memory_space<vmem>>
    %dma_wait3A_353 = arith.constant 48 : i32
    %dma_wait3A_354 = tpu.memref_slice %arg7[%dma_wait3A_353] : memref<128xi32, #tpu.memory_space<vmem>> -> memref<16xi32, #tpu.memory_space<vmem>>
    %dma_wait3A_355 = arith.constant 0 : i32
    %dma_wait3A_356 = arith.constant 0 : i32
    %dma_wait3A_357 = tpu.memref_slice %arg3[%dma_wait3A_355, %dma_wait3A_356] : memref<8192x1024xf32, #tpu.memory_space<hbm>> -> memref<8192x1024xf32, #tpu.memory_space<hbm>>
    tpu.wait_indirect_dma semaphore(%arg13 : memref<!tpu.dma_semaphore, #tpu.memory_space<semaphore_mem>>) src(%dma_wait3A_357 : memref<8192x1024xf32, #tpu.memory_space<hbm>>) dst(%dma_wait3A_352 : memref<16x1024xf32, #tpu.memory_space<vmem>>)
    %dma_start3A_358 = arith.constant 1 : i32
    %dma_start3A_359 = arith.constant 0 : i32
    %dma_start3A_360 = arith.constant 0 : i32
    %dma_start3A_361 = tpu.memref_slice %arg9[%dma_start3A_358, %dma_start3A_359, %dma_start3A_360] : memref<2x16x1024xf32, #tpu.memory_space<vmem>> -> memref<1x16x1024xf32, #tpu.memory_space<vmem>>
    %dma_start3A_362 = tpu.memref_squeeze %dma_start3A_361 : memref<1x16x1024xf32, #tpu.memory_space<vmem>> -> memref<16x1024xf32, #tpu.memory_space<vmem>>
    %dma_start3A_363 = arith.constant 0 : i32
    %dma_start3A_364 = tpu.memref_slice %arg6[%add3A_324, %dma_start3A_363] : memref<4096x1024xf32, #tpu.memory_space<hbm>> -> memref<16x1024xf32, #tpu.memory_space<hbm>>
    %dma_start3A_365 = arith.constant 0 : i32
    %dma_start3A_366 = tpu.memref_slice %arg6[%add3A_324, %dma_start3A_365] : memref<4096x1024xf32, #tpu.memory_space<hbm>> -> memref<16x1024xf32, #tpu.memory_space<hbm>>
    %dma_start3A_367 = arith.constant 0 : i32
    %dma_start3A_368 = arith.constant 0 : i32
    %dma_start3A_369 = tpu.memref_slice %arg9[%dma_start3A_358, %dma_start3A_367, %dma_start3A_368] : memref<2x16x1024xf32, #tpu.memory_space<vmem>> -> memref<1x16x1024xf32, #tpu.memory_space<vmem>>
    %dma_start3A_370 = tpu.memref_squeeze %dma_start3A_369 : memref<1x16x1024xf32, #tpu.memory_space<vmem>> -> memref<16x1024xf32, #tpu.memory_space<vmem>>
    tpu.enqueue_dma source(%dma_start3A_370 : memref<16x1024xf32, #tpu.memory_space<vmem>>) target(%dma_start3A_366 : memref<16x1024xf32, #tpu.memory_space<hbm>>) target_semaphore(%arg17 : memref<!tpu.dma_semaphore, #tpu.memory_space<semaphore_mem>>)
    %dma_wait3A_371 = arith.constant 1 : i32
    %dma_wait3A_372 = arith.constant 0 : i32
    %dma_wait3A_373 = arith.constant 0 : i32
    %dma_wait3A_374 = tpu.memref_slice %arg8[%dma_wait3A_371, %dma_wait3A_372, %dma_wait3A_373] : memref<2x16x1024xf32, #tpu.memory_space<vmem>> -> memref<1x16x1024xf32, #tpu.memory_space<vmem>>
    %dma_wait3A_375 = tpu.memref_squeeze %dma_wait3A_374 : memref<1x16x1024xf32, #tpu.memory_space<vmem>> -> memref<16x1024xf32, #tpu.memory_space<vmem>>
    %dma_wait3A_376 = arith.constant 0 : i32
    %dma_wait3A_377 = tpu.memref_slice %arg5[%add3A_324, %dma_wait3A_376] : memref<4096x1024xf32, #tpu.memory_space<hbm>> -> memref<16x1024xf32, #tpu.memory_space<hbm>>
    %dma_wait3A_378 = arith.constant 0 : i32
    %dma_wait3A_379 = tpu.memref_slice %arg5[%add3A_324, %dma_wait3A_378] : memref<4096x1024xf32, #tpu.memory_space<hbm>> -> memref<16x1024xf32, #tpu.memory_space<hbm>>
    %dma_wait3A_380 = arith.constant 0 : i32
    %dma_wait3A_381 = arith.constant 0 : i32
    %dma_wait3A_382 = tpu.memref_slice %arg8[%dma_wait3A_371, %dma_wait3A_380, %dma_wait3A_381] : memref<2x16x1024xf32, #tpu.memory_space<vmem>> -> memref<1x16x1024xf32, #tpu.memory_space<vmem>>
    %dma_wait3A_383 = tpu.memref_squeeze %dma_wait3A_382 : memref<1x16x1024xf32, #tpu.memory_space<vmem>> -> memref<16x1024xf32, #tpu.memory_space<vmem>>
    tpu.wait_dma2 semaphore(%arg15 : memref<!tpu.dma_semaphore, #tpu.memory_space<semaphore_mem>>) src(%dma_wait3A_383 : memref<16x1024xf32, #tpu.memory_space<vmem>>) dst(%dma_wait3A_379 : memref<16x1024xf32, #tpu.memory_space<hbm>>)
    %dma_wait3A_384 = arith.constant 1 : i32
    %dma_wait3A_385 = arith.constant 0 : i32
    %dma_wait3A_386 = arith.constant 0 : i32
    %dma_wait3A_387 = tpu.memref_slice %arg9[%dma_wait3A_384, %dma_wait3A_385, %dma_wait3A_386] : memref<2x16x1024xf32, #tpu.memory_space<vmem>> -> memref<1x16x1024xf32, #tpu.memory_space<vmem>>
    %dma_wait3A_388 = tpu.memref_squeeze %dma_wait3A_387 : memref<1x16x1024xf32, #tpu.memory_space<vmem>> -> memref<16x1024xf32, #tpu.memory_space<vmem>>
    %dma_wait3A_389 = arith.constant 0 : i32
    %dma_wait3A_390 = tpu.memref_slice %arg6[%add3A_324, %dma_wait3A_389] : memref<4096x1024xf32, #tpu.memory_space<hbm>> -> memref<16x1024xf32, #tpu.memory_space<hbm>>
    %dma_wait3A_391 = arith.constant 0 : i32
    %dma_wait3A_392 = tpu.memref_slice %arg6[%add3A_324, %dma_wait3A_391] : memref<4096x1024xf32, #tpu.memory_space<hbm>> -> memref<16x1024xf32, #tpu.memory_space<hbm>>
    %dma_wait3A_393 = arith.constant 0 : i32
    %dma_wait3A_394 = arith.constant 0 : i32
    %dma_wait3A_395 = tpu.memref_slice %arg9[%dma_wait3A_384, %dma_wait3A_393, %dma_wait3A_394] : memref<2x16x1024xf32, #tpu.memory_space<vmem>> -> memref<1x16x1024xf32, #tpu.memory_space<vmem>>
    %dma_wait3A_396 = tpu.memref_squeeze %dma_wait3A_395 : memref<1x16x1024xf32, #tpu.memory_space<vmem>> -> memref<16x1024xf32, #tpu.memory_space<vmem>>
    tpu.wait_dma2 semaphore(%arg17 : memref<!tpu.dma_semaphore, #tpu.memory_space<semaphore_mem>>) src(%dma_wait3A_396 : memref<16x1024xf32, #tpu.memory_space<vmem>>) dst(%dma_wait3A_392 : memref<16x1024xf32, #tpu.memory_space<hbm>>)
    %dma_start3A_397 = arith.constant 1 : i32
    %dma_start3A_398 = arith.constant 0 : i32
    %dma_start3A_399 = arith.constant 0 : i32
    %dma_start3A_400 = tpu.memref_slice %arg8[%dma_start3A_397, %dma_start3A_398, %dma_start3A_399] : memref<2x16x1024xf32, #tpu.memory_space<vmem>> -> memref<1x16x1024xf32, #tpu.memory_space<vmem>>
    %dma_start3A_401 = tpu.memref_squeeze %dma_start3A_400 : memref<1x16x1024xf32, #tpu.memory_space<vmem>> -> memref<16x1024xf32, #tpu.memory_space<vmem>>
    %dma_start3A_402 = arith.constant 80 : i32
    %dma_start3A_403 = tpu.memref_slice %arg7[%dma_start3A_402] : memref<128xi32, #tpu.memory_space<vmem>> -> memref<16xi32, #tpu.memory_space<vmem>>
    %dma_start3A_404 = arith.constant 0 : i32
    %dma_start3A_405 = arith.constant 0 : i32
    %dma_start3A_406 = tpu.memref_slice %arg2[%dma_start3A_404, %dma_start3A_405] : memref<8192x1024xf32, #tpu.memory_space<hbm>> -> memref<8192x1024xf32, #tpu.memory_space<hbm>>
    tpu.enqueue_indirect_dma source(%dma_start3A_406 : memref<8192x1024xf32, #tpu.memory_space<hbm>>) target(%dma_start3A_401 : memref<16x1024xf32, #tpu.memory_space<vmem>>) offsets(%dma_start3A_403 : memref<16xi32, #tpu.memory_space<vmem>>) semaphore(%arg11 : memref<!tpu.dma_semaphore, #tpu.memory_space<semaphore_mem>>)
    %dma_start3A_407 = arith.constant 1 : i32
    %dma_start3A_408 = arith.constant 0 : i32
    %dma_start3A_409 = arith.constant 0 : i32
    %dma_start3A_410 = tpu.memref_slice %arg9[%dma_start3A_407, %dma_start3A_408, %dma_start3A_409] : memref<2x16x1024xf32, #tpu.memory_space<vmem>> -> memref<1x16x1024xf32, #tpu.memory_space<vmem>>
    %dma_start3A_411 = tpu.memref_squeeze %dma_start3A_410 : memref<1x16x1024xf32, #tpu.memory_space<vmem>> -> memref<16x1024xf32, #tpu.memory_space<vmem>>
    %dma_start3A_412 = arith.constant 80 : i32
    %dma_start3A_413 = tpu.memref_slice %arg7[%dma_start3A_412] : memref<128xi32, #tpu.memory_space<vmem>> -> memref<16xi32, #tpu.memory_space<vmem>>
    %dma_start3A_414 = arith.constant 0 : i32
    %dma_start3A_415 = arith.constant 0 : i32
    %dma_start3A_416 = tpu.memref_slice %arg3[%dma_start3A_414, %dma_start3A_415] : memref<8192x1024xf32, #tpu.memory_space<hbm>> -> memref<8192x1024xf32, #tpu.memory_space<hbm>>
    tpu.enqueue_indirect_dma source(%dma_start3A_416 : memref<8192x1024xf32, #tpu.memory_space<hbm>>) target(%dma_start3A_411 : memref<16x1024xf32, #tpu.memory_space<vmem>>) offsets(%dma_start3A_413 : memref<16xi32, #tpu.memory_space<vmem>>) semaphore(%arg13 : memref<!tpu.dma_semaphore, #tpu.memory_space<semaphore_mem>>)
    %add3A_417 = arith.constant 64 : i32
    %add3A_418 = arith.addi %mul3A_2, %add3A_417 : i32
    %dma_wait3A_419 = arith.constant 0 : i32
    %dma_wait3A_420 = arith.constant 0 : i32
    %dma_wait3A_421 = arith.constant 0 : i32
    %dma_wait3A_422 = tpu.memref_slice %arg8[%dma_wait3A_419, %dma_wait3A_420, %dma_wait3A_421] : memref<2x16x1024xf32, #tpu.memory_space<vmem>> -> memref<1x16x1024xf32, #tpu.memory_space<vmem>>
    %dma_wait3A_423 = tpu.memref_squeeze %dma_wait3A_422 : memref<1x16x1024xf32, #tpu.memory_space<vmem>> -> memref<16x1024xf32, #tpu.memory_space<vmem>>
    %dma_wait3A_424 = arith.constant 64 : i32
    %dma_wait3A_425 = tpu.memref_slice %arg7[%dma_wait3A_424] : memref<128xi32, #tpu.memory_space<vmem>> -> memref<16xi32, #tpu.memory_space<vmem>>
    %dma_wait3A_426 = arith.constant 0 : i32
    %dma_wait3A_427 = arith.constant 0 : i32
    %dma_wait3A_428 = tpu.memref_slice %arg2[%dma_wait3A_426, %dma_wait3A_427] : memref<8192x1024xf32, #tpu.memory_space<hbm>> -> memref<8192x1024xf32, #tpu.memory_space<hbm>>
    tpu.wait_indirect_dma semaphore(%arg10 : memref<!tpu.dma_semaphore, #tpu.memory_space<semaphore_mem>>) src(%dma_wait3A_428 : memref<8192x1024xf32, #tpu.memory_space<hbm>>) dst(%dma_wait3A_423 : memref<16x1024xf32, #tpu.memory_space<vmem>>)
    %dma_start3A_429 = arith.constant 0 : i32
    %dma_start3A_430 = arith.constant 0 : i32
    %dma_start3A_431 = arith.constant 0 : i32
    %dma_start3A_432 = tpu.memref_slice %arg8[%dma_start3A_429, %dma_start3A_430, %dma_start3A_431] : memref<2x16x1024xf32, #tpu.memory_space<vmem>> -> memref<1x16x1024xf32, #tpu.memory_space<vmem>>
    %dma_start3A_433 = tpu.memref_squeeze %dma_start3A_432 : memref<1x16x1024xf32, #tpu.memory_space<vmem>> -> memref<16x1024xf32, #tpu.memory_space<vmem>>
    %dma_start3A_434 = arith.constant 0 : i32
    %dma_start3A_435 = tpu.memref_slice %arg5[%add3A_418, %dma_start3A_434] : memref<4096x1024xf32, #tpu.memory_space<hbm>> -> memref<16x1024xf32, #tpu.memory_space<hbm>>
    %dma_start3A_436 = arith.constant 0 : i32
    %dma_start3A_437 = tpu.memref_slice %arg5[%add3A_418, %dma_start3A_436] : memref<4096x1024xf32, #tpu.memory_space<hbm>> -> memref<16x1024xf32, #tpu.memory_space<hbm>>
    %dma_start3A_438 = arith.constant 0 : i32
    %dma_start3A_439 = arith.constant 0 : i32
    %dma_start3A_440 = tpu.memref_slice %arg8[%dma_start3A_429, %dma_start3A_438, %dma_start3A_439] : memref<2x16x1024xf32, #tpu.memory_space<vmem>> -> memref<1x16x1024xf32, #tpu.memory_space<vmem>>
    %dma_start3A_441 = tpu.memref_squeeze %dma_start3A_440 : memref<1x16x1024xf32, #tpu.memory_space<vmem>> -> memref<16x1024xf32, #tpu.memory_space<vmem>>
    tpu.enqueue_dma source(%dma_start3A_441 : memref<16x1024xf32, #tpu.memory_space<vmem>>) target(%dma_start3A_437 : memref<16x1024xf32, #tpu.memory_space<hbm>>) target_semaphore(%arg14 : memref<!tpu.dma_semaphore, #tpu.memory_space<semaphore_mem>>)
    %dma_wait3A_442 = arith.constant 0 : i32
    %dma_wait3A_443 = arith.constant 0 : i32
    %dma_wait3A_444 = arith.constant 0 : i32
    %dma_wait3A_445 = tpu.memref_slice %arg9[%dma_wait3A_442, %dma_wait3A_443, %dma_wait3A_444] : memref<2x16x1024xf32, #tpu.memory_space<vmem>> -> memref<1x16x1024xf32, #tpu.memory_space<vmem>>
    %dma_wait3A_446 = tpu.memref_squeeze %dma_wait3A_445 : memref<1x16x1024xf32, #tpu.memory_space<vmem>> -> memref<16x1024xf32, #tpu.memory_space<vmem>>
    %dma_wait3A_447 = arith.constant 64 : i32
    %dma_wait3A_448 = tpu.memref_slice %arg7[%dma_wait3A_447] : memref<128xi32, #tpu.memory_space<vmem>> -> memref<16xi32, #tpu.memory_space<vmem>>
    %dma_wait3A_449 = arith.constant 0 : i32
    %dma_wait3A_450 = arith.constant 0 : i32
    %dma_wait3A_451 = tpu.memref_slice %arg3[%dma_wait3A_449, %dma_wait3A_450] : memref<8192x1024xf32, #tpu.memory_space<hbm>> -> memref<8192x1024xf32, #tpu.memory_space<hbm>>
    tpu.wait_indirect_dma semaphore(%arg12 : memref<!tpu.dma_semaphore, #tpu.memory_space<semaphore_mem>>) src(%dma_wait3A_451 : memref<8192x1024xf32, #tpu.memory_space<hbm>>) dst(%dma_wait3A_446 : memref<16x1024xf32, #tpu.memory_space<vmem>>)
    %dma_start3A_452 = arith.constant 0 : i32
    %dma_start3A_453 = arith.constant 0 : i32
    %dma_start3A_454 = arith.constant 0 : i32
    %dma_start3A_455 = tpu.memref_slice %arg9[%dma_start3A_452, %dma_start3A_453, %dma_start3A_454] : memref<2x16x1024xf32, #tpu.memory_space<vmem>> -> memref<1x16x1024xf32, #tpu.memory_space<vmem>>
    %dma_start3A_456 = tpu.memref_squeeze %dma_start3A_455 : memref<1x16x1024xf32, #tpu.memory_space<vmem>> -> memref<16x1024xf32, #tpu.memory_space<vmem>>
    %dma_start3A_457 = arith.constant 0 : i32
    %dma_start3A_458 = tpu.memref_slice %arg6[%add3A_418, %dma_start3A_457] : memref<4096x1024xf32, #tpu.memory_space<hbm>> -> memref<16x1024xf32, #tpu.memory_space<hbm>>
    %dma_start3A_459 = arith.constant 0 : i32
    %dma_start3A_460 = tpu.memref_slice %arg6[%add3A_418, %dma_start3A_459] : memref<4096x1024xf32, #tpu.memory_space<hbm>> -> memref<16x1024xf32, #tpu.memory_space<hbm>>
    %dma_start3A_461 = arith.constant 0 : i32
    %dma_start3A_462 = arith.constant 0 : i32
    %dma_start3A_463 = tpu.memref_slice %arg9[%dma_start3A_452, %dma_start3A_461, %dma_start3A_462] : memref<2x16x1024xf32, #tpu.memory_space<vmem>> -> memref<1x16x1024xf32, #tpu.memory_space<vmem>>
    %dma_start3A_464 = tpu.memref_squeeze %dma_start3A_463 : memref<1x16x1024xf32, #tpu.memory_space<vmem>> -> memref<16x1024xf32, #tpu.memory_space<vmem>>
    tpu.enqueue_dma source(%dma_start3A_464 : memref<16x1024xf32, #tpu.memory_space<vmem>>) target(%dma_start3A_460 : memref<16x1024xf32, #tpu.memory_space<hbm>>) target_semaphore(%arg16 : memref<!tpu.dma_semaphore, #tpu.memory_space<semaphore_mem>>)
    %dma_wait3A_465 = arith.constant 0 : i32
    %dma_wait3A_466 = arith.constant 0 : i32
    %dma_wait3A_467 = arith.constant 0 : i32
    %dma_wait3A_468 = tpu.memref_slice %arg8[%dma_wait3A_465, %dma_wait3A_466, %dma_wait3A_467] : memref<2x16x1024xf32, #tpu.memory_space<vmem>> -> memref<1x16x1024xf32, #tpu.memory_space<vmem>>
    %dma_wait3A_469 = tpu.memref_squeeze %dma_wait3A_468 : memref<1x16x1024xf32, #tpu.memory_space<vmem>> -> memref<16x1024xf32, #tpu.memory_space<vmem>>
    %dma_wait3A_470 = arith.constant 0 : i32
    %dma_wait3A_471 = tpu.memref_slice %arg5[%add3A_418, %dma_wait3A_470] : memref<4096x1024xf32, #tpu.memory_space<hbm>> -> memref<16x1024xf32, #tpu.memory_space<hbm>>
    %dma_wait3A_472 = arith.constant 0 : i32
    %dma_wait3A_473 = tpu.memref_slice %arg5[%add3A_418, %dma_wait3A_472] : memref<4096x1024xf32, #tpu.memory_space<hbm>> -> memref<16x1024xf32, #tpu.memory_space<hbm>>
    %dma_wait3A_474 = arith.constant 0 : i32
    %dma_wait3A_475 = arith.constant 0 : i32
    %dma_wait3A_476 = tpu.memref_slice %arg8[%dma_wait3A_465, %dma_wait3A_474, %dma_wait3A_475] : memref<2x16x1024xf32, #tpu.memory_space<vmem>> -> memref<1x16x1024xf32, #tpu.memory_space<vmem>>
    %dma_wait3A_477 = tpu.memref_squeeze %dma_wait3A_476 : memref<1x16x1024xf32, #tpu.memory_space<vmem>> -> memref<16x1024xf32, #tpu.memory_space<vmem>>
    tpu.wait_dma2 semaphore(%arg14 : memref<!tpu.dma_semaphore, #tpu.memory_space<semaphore_mem>>) src(%dma_wait3A_477 : memref<16x1024xf32, #tpu.memory_space<vmem>>) dst(%dma_wait3A_473 : memref<16x1024xf32, #tpu.memory_space<hbm>>)
    %dma_wait3A_478 = arith.constant 0 : i32
    %dma_wait3A_479 = arith.constant 0 : i32
    %dma_wait3A_480 = arith.constant 0 : i32
    %dma_wait3A_481 = tpu.memref_slice %arg9[%dma_wait3A_478, %dma_wait3A_479, %dma_wait3A_480] : memref<2x16x1024xf32, #tpu.memory_space<vmem>> -> memref<1x16x1024xf32, #tpu.memory_space<vmem>>
    %dma_wait3A_482 = tpu.memref_squeeze %dma_wait3A_481 : memref<1x16x1024xf32, #tpu.memory_space<vmem>> -> memref<16x1024xf32, #tpu.memory_space<vmem>>
    %dma_wait3A_483 = arith.constant 0 : i32
    %dma_wait3A_484 = tpu.memref_slice %arg6[%add3A_418, %dma_wait3A_483] : memref<4096x1024xf32, #tpu.memory_space<hbm>> -> memref<16x1024xf32, #tpu.memory_space<hbm>>
    %dma_wait3A_485 = arith.constant 0 : i32
    %dma_wait3A_486 = tpu.memref_slice %arg6[%add3A_418, %dma_wait3A_485] : memref<4096x1024xf32, #tpu.memory_space<hbm>> -> memref<16x1024xf32, #tpu.memory_space<hbm>>
    %dma_wait3A_487 = arith.constant 0 : i32
    %dma_wait3A_488 = arith.constant 0 : i32
    %dma_wait3A_489 = tpu.memref_slice %arg9[%dma_wait3A_478, %dma_wait3A_487, %dma_wait3A_488] : memref<2x16x1024xf32, #tpu.memory_space<vmem>> -> memref<1x16x1024xf32, #tpu.memory_space<vmem>>
    %dma_wait3A_490 = tpu.memref_squeeze %dma_wait3A_489 : memref<1x16x1024xf32, #tpu.memory_space<vmem>> -> memref<16x1024xf32, #tpu.memory_space<vmem>>
    tpu.wait_dma2 semaphore(%arg16 : memref<!tpu.dma_semaphore, #tpu.memory_space<semaphore_mem>>) src(%dma_wait3A_490 : memref<16x1024xf32, #tpu.memory_space<vmem>>) dst(%dma_wait3A_486 : memref<16x1024xf32, #tpu.memory_space<hbm>>)
    %dma_start3A_491 = arith.constant 0 : i32
    %dma_start3A_492 = arith.constant 0 : i32
    %dma_start3A_493 = arith.constant 0 : i32
    %dma_start3A_494 = tpu.memref_slice %arg8[%dma_start3A_491, %dma_start3A_492, %dma_start3A_493] : memref<2x16x1024xf32, #tpu.memory_space<vmem>> -> memref<1x16x1024xf32, #tpu.memory_space<vmem>>
    %dma_start3A_495 = tpu.memref_squeeze %dma_start3A_494 : memref<1x16x1024xf32, #tpu.memory_space<vmem>> -> memref<16x1024xf32, #tpu.memory_space<vmem>>
    %dma_start3A_496 = arith.constant 96 : i32
    %dma_start3A_497 = tpu.memref_slice %arg7[%dma_start3A_496] : memref<128xi32, #tpu.memory_space<vmem>> -> memref<16xi32, #tpu.memory_space<vmem>>
    %dma_start3A_498 = arith.constant 0 : i32
    %dma_start3A_499 = arith.constant 0 : i32
    %dma_start3A_500 = tpu.memref_slice %arg2[%dma_start3A_498, %dma_start3A_499] : memref<8192x1024xf32, #tpu.memory_space<hbm>> -> memref<8192x1024xf32, #tpu.memory_space<hbm>>
    tpu.enqueue_indirect_dma source(%dma_start3A_500 : memref<8192x1024xf32, #tpu.memory_space<hbm>>) target(%dma_start3A_495 : memref<16x1024xf32, #tpu.memory_space<vmem>>) offsets(%dma_start3A_497 : memref<16xi32, #tpu.memory_space<vmem>>) semaphore(%arg10 : memref<!tpu.dma_semaphore, #tpu.memory_space<semaphore_mem>>)
    %dma_start3A_501 = arith.constant 0 : i32
    %dma_start3A_502 = arith.constant 0 : i32
    %dma_start3A_503 = arith.constant 0 : i32
    %dma_start3A_504 = tpu.memref_slice %arg9[%dma_start3A_501, %dma_start3A_502, %dma_start3A_503] : memref<2x16x1024xf32, #tpu.memory_space<vmem>> -> memref<1x16x1024xf32, #tpu.memory_space<vmem>>
    %dma_start3A_505 = tpu.memref_squeeze %dma_start3A_504 : memref<1x16x1024xf32, #tpu.memory_space<vmem>> -> memref<16x1024xf32, #tpu.memory_space<vmem>>
    %dma_start3A_506 = arith.constant 96 : i32
    %dma_start3A_507 = tpu.memref_slice %arg7[%dma_start3A_506] : memref<128xi32, #tpu.memory_space<vmem>> -> memref<16xi32, #tpu.memory_space<vmem>>
    %dma_start3A_508 = arith.constant 0 : i32
    %dma_start3A_509 = arith.constant 0 : i32
    %dma_start3A_510 = tpu.memref_slice %arg3[%dma_start3A_508, %dma_start3A_509] : memref<8192x1024xf32, #tpu.memory_space<hbm>> -> memref<8192x1024xf32, #tpu.memory_space<hbm>>
    tpu.enqueue_indirect_dma source(%dma_start3A_510 : memref<8192x1024xf32, #tpu.memory_space<hbm>>) target(%dma_start3A_505 : memref<16x1024xf32, #tpu.memory_space<vmem>>) offsets(%dma_start3A_507 : memref<16xi32, #tpu.memory_space<vmem>>) semaphore(%arg12 : memref<!tpu.dma_semaphore, #tpu.memory_space<semaphore_mem>>)
    %add3A_511 = arith.constant 80 : i32
    %add3A_512 = arith.addi %mul3A_2, %add3A_511 : i32
    %dma_wait3A_513 = arith.constant 1 : i32
    %dma_wait3A_514 = arith.constant 0 : i32
    %dma_wait3A_515 = arith.constant 0 : i32
    %dma_wait3A_516 = tpu.memref_slice %arg8[%dma_wait3A_513, %dma_wait3A_514, %dma_wait3A_515] : memref<2x16x1024xf32, #tpu.memory_space<vmem>> -> memref<1x16x1024xf32, #tpu.memory_space<vmem>>
    %dma_wait3A_517 = tpu.memref_squeeze %dma_wait3A_516 : memref<1x16x1024xf32, #tpu.memory_space<vmem>> -> memref<16x1024xf32, #tpu.memory_space<vmem>>
    %dma_wait3A_518 = arith.constant 80 : i32
    %dma_wait3A_519 = tpu.memref_slice %arg7[%dma_wait3A_518] : memref<128xi32, #tpu.memory_space<vmem>> -> memref<16xi32, #tpu.memory_space<vmem>>
    %dma_wait3A_520 = arith.constant 0 : i32
    %dma_wait3A_521 = arith.constant 0 : i32
    %dma_wait3A_522 = tpu.memref_slice %arg2[%dma_wait3A_520, %dma_wait3A_521] : memref<8192x1024xf32, #tpu.memory_space<hbm>> -> memref<8192x1024xf32, #tpu.memory_space<hbm>>
    tpu.wait_indirect_dma semaphore(%arg11 : memref<!tpu.dma_semaphore, #tpu.memory_space<semaphore_mem>>) src(%dma_wait3A_522 : memref<8192x1024xf32, #tpu.memory_space<hbm>>) dst(%dma_wait3A_517 : memref<16x1024xf32, #tpu.memory_space<vmem>>)
    %dma_start3A_523 = arith.constant 1 : i32
    %dma_start3A_524 = arith.constant 0 : i32
    %dma_start3A_525 = arith.constant 0 : i32
    %dma_start3A_526 = tpu.memref_slice %arg8[%dma_start3A_523, %dma_start3A_524, %dma_start3A_525] : memref<2x16x1024xf32, #tpu.memory_space<vmem>> -> memref<1x16x1024xf32, #tpu.memory_space<vmem>>
    %dma_start3A_527 = tpu.memref_squeeze %dma_start3A_526 : memref<1x16x1024xf32, #tpu.memory_space<vmem>> -> memref<16x1024xf32, #tpu.memory_space<vmem>>
    %dma_start3A_528 = arith.constant 0 : i32
    %dma_start3A_529 = tpu.memref_slice %arg5[%add3A_512, %dma_start3A_528] : memref<4096x1024xf32, #tpu.memory_space<hbm>> -> memref<16x1024xf32, #tpu.memory_space<hbm>>
    %dma_start3A_530 = arith.constant 0 : i32
    %dma_start3A_531 = tpu.memref_slice %arg5[%add3A_512, %dma_start3A_530] : memref<4096x1024xf32, #tpu.memory_space<hbm>> -> memref<16x1024xf32, #tpu.memory_space<hbm>>
    %dma_start3A_532 = arith.constant 0 : i32
    %dma_start3A_533 = arith.constant 0 : i32
    %dma_start3A_534 = tpu.memref_slice %arg8[%dma_start3A_523, %dma_start3A_532, %dma_start3A_533] : memref<2x16x1024xf32, #tpu.memory_space<vmem>> -> memref<1x16x1024xf32, #tpu.memory_space<vmem>>
    %dma_start3A_535 = tpu.memref_squeeze %dma_start3A_534 : memref<1x16x1024xf32, #tpu.memory_space<vmem>> -> memref<16x1024xf32, #tpu.memory_space<vmem>>
    tpu.enqueue_dma source(%dma_start3A_535 : memref<16x1024xf32, #tpu.memory_space<vmem>>) target(%dma_start3A_531 : memref<16x1024xf32, #tpu.memory_space<hbm>>) target_semaphore(%arg15 : memref<!tpu.dma_semaphore, #tpu.memory_space<semaphore_mem>>)
    %dma_wait3A_536 = arith.constant 1 : i32
    %dma_wait3A_537 = arith.constant 0 : i32
    %dma_wait3A_538 = arith.constant 0 : i32
    %dma_wait3A_539 = tpu.memref_slice %arg9[%dma_wait3A_536, %dma_wait3A_537, %dma_wait3A_538] : memref<2x16x1024xf32, #tpu.memory_space<vmem>> -> memref<1x16x1024xf32, #tpu.memory_space<vmem>>
    %dma_wait3A_540 = tpu.memref_squeeze %dma_wait3A_539 : memref<1x16x1024xf32, #tpu.memory_space<vmem>> -> memref<16x1024xf32, #tpu.memory_space<vmem>>
    %dma_wait3A_541 = arith.constant 80 : i32
    %dma_wait3A_542 = tpu.memref_slice %arg7[%dma_wait3A_541] : memref<128xi32, #tpu.memory_space<vmem>> -> memref<16xi32, #tpu.memory_space<vmem>>
    %dma_wait3A_543 = arith.constant 0 : i32
    %dma_wait3A_544 = arith.constant 0 : i32
    %dma_wait3A_545 = tpu.memref_slice %arg3[%dma_wait3A_543, %dma_wait3A_544] : memref<8192x1024xf32, #tpu.memory_space<hbm>> -> memref<8192x1024xf32, #tpu.memory_space<hbm>>
    tpu.wait_indirect_dma semaphore(%arg13 : memref<!tpu.dma_semaphore, #tpu.memory_space<semaphore_mem>>) src(%dma_wait3A_545 : memref<8192x1024xf32, #tpu.memory_space<hbm>>) dst(%dma_wait3A_540 : memref<16x1024xf32, #tpu.memory_space<vmem>>)
    %dma_start3A_546 = arith.constant 1 : i32
    %dma_start3A_547 = arith.constant 0 : i32
    %dma_start3A_548 = arith.constant 0 : i32
    %dma_start3A_549 = tpu.memref_slice %arg9[%dma_start3A_546, %dma_start3A_547, %dma_start3A_548] : memref<2x16x1024xf32, #tpu.memory_space<vmem>> -> memref<1x16x1024xf32, #tpu.memory_space<vmem>>
    %dma_start3A_550 = tpu.memref_squeeze %dma_start3A_549 : memref<1x16x1024xf32, #tpu.memory_space<vmem>> -> memref<16x1024xf32, #tpu.memory_space<vmem>>
    %dma_start3A_551 = arith.constant 0 : i32
    %dma_start3A_552 = tpu.memref_slice %arg6[%add3A_512, %dma_start3A_551] : memref<4096x1024xf32, #tpu.memory_space<hbm>> -> memref<16x1024xf32, #tpu.memory_space<hbm>>
    %dma_start3A_553 = arith.constant 0 : i32
    %dma_start3A_554 = tpu.memref_slice %arg6[%add3A_512, %dma_start3A_553] : memref<4096x1024xf32, #tpu.memory_space<hbm>> -> memref<16x1024xf32, #tpu.memory_space<hbm>>
    %dma_start3A_555 = arith.constant 0 : i32
    %dma_start3A_556 = arith.constant 0 : i32
    %dma_start3A_557 = tpu.memref_slice %arg9[%dma_start3A_546, %dma_start3A_555, %dma_start3A_556] : memref<2x16x1024xf32, #tpu.memory_space<vmem>> -> memref<1x16x1024xf32, #tpu.memory_space<vmem>>
    %dma_start3A_558 = tpu.memref_squeeze %dma_start3A_557 : memref<1x16x1024xf32, #tpu.memory_space<vmem>> -> memref<16x1024xf32, #tpu.memory_space<vmem>>
    tpu.enqueue_dma source(%dma_start3A_558 : memref<16x1024xf32, #tpu.memory_space<vmem>>) target(%dma_start3A_554 : memref<16x1024xf32, #tpu.memory_space<hbm>>) target_semaphore(%arg17 : memref<!tpu.dma_semaphore, #tpu.memory_space<semaphore_mem>>)
    %dma_wait3A_559 = arith.constant 1 : i32
    %dma_wait3A_560 = arith.constant 0 : i32
    %dma_wait3A_561 = arith.constant 0 : i32
    %dma_wait3A_562 = tpu.memref_slice %arg8[%dma_wait3A_559, %dma_wait3A_560, %dma_wait3A_561] : memref<2x16x1024xf32, #tpu.memory_space<vmem>> -> memref<1x16x1024xf32, #tpu.memory_space<vmem>>
    %dma_wait3A_563 = tpu.memref_squeeze %dma_wait3A_562 : memref<1x16x1024xf32, #tpu.memory_space<vmem>> -> memref<16x1024xf32, #tpu.memory_space<vmem>>
    %dma_wait3A_564 = arith.constant 0 : i32
    %dma_wait3A_565 = tpu.memref_slice %arg5[%add3A_512, %dma_wait3A_564] : memref<4096x1024xf32, #tpu.memory_space<hbm>> -> memref<16x1024xf32, #tpu.memory_space<hbm>>
    %dma_wait3A_566 = arith.constant 0 : i32
    %dma_wait3A_567 = tpu.memref_slice %arg5[%add3A_512, %dma_wait3A_566] : memref<4096x1024xf32, #tpu.memory_space<hbm>> -> memref<16x1024xf32, #tpu.memory_space<hbm>>
    %dma_wait3A_568 = arith.constant 0 : i32
    %dma_wait3A_569 = arith.constant 0 : i32
    %dma_wait3A_570 = tpu.memref_slice %arg8[%dma_wait3A_559, %dma_wait3A_568, %dma_wait3A_569] : memref<2x16x1024xf32, #tpu.memory_space<vmem>> -> memref<1x16x1024xf32, #tpu.memory_space<vmem>>
    %dma_wait3A_571 = tpu.memref_squeeze %dma_wait3A_570 : memref<1x16x1024xf32, #tpu.memory_space<vmem>> -> memref<16x1024xf32, #tpu.memory_space<vmem>>
    tpu.wait_dma2 semaphore(%arg15 : memref<!tpu.dma_semaphore, #tpu.memory_space<semaphore_mem>>) src(%dma_wait3A_571 : memref<16x1024xf32, #tpu.memory_space<vmem>>) dst(%dma_wait3A_567 : memref<16x1024xf32, #tpu.memory_space<hbm>>)
    %dma_wait3A_572 = arith.constant 1 : i32
    %dma_wait3A_573 = arith.constant 0 : i32
    %dma_wait3A_574 = arith.constant 0 : i32
    %dma_wait3A_575 = tpu.memref_slice %arg9[%dma_wait3A_572, %dma_wait3A_573, %dma_wait3A_574] : memref<2x16x1024xf32, #tpu.memory_space<vmem>> -> memref<1x16x1024xf32, #tpu.memory_space<vmem>>
    %dma_wait3A_576 = tpu.memref_squeeze %dma_wait3A_575 : memref<1x16x1024xf32, #tpu.memory_space<vmem>> -> memref<16x1024xf32, #tpu.memory_space<vmem>>
    %dma_wait3A_577 = arith.constant 0 : i32
    %dma_wait3A_578 = tpu.memref_slice %arg6[%add3A_512, %dma_wait3A_577] : memref<4096x1024xf32, #tpu.memory_space<hbm>> -> memref<16x1024xf32, #tpu.memory_space<hbm>>
    %dma_wait3A_579 = arith.constant 0 : i32
    %dma_wait3A_580 = tpu.memref_slice %arg6[%add3A_512, %dma_wait3A_579] : memref<4096x1024xf32, #tpu.memory_space<hbm>> -> memref<16x1024xf32, #tpu.memory_space<hbm>>
    %dma_wait3A_581 = arith.constant 0 : i32
    %dma_wait3A_582 = arith.constant 0 : i32
    %dma_wait3A_583 = tpu.memref_slice %arg9[%dma_wait3A_572, %dma_wait3A_581, %dma_wait3A_582] : memref<2x16x1024xf32, #tpu.memory_space<vmem>> -> memref<1x16x1024xf32, #tpu.memory_space<vmem>>
    %dma_wait3A_584 = tpu.memref_squeeze %dma_wait3A_583 : memref<1x16x1024xf32, #tpu.memory_space<vmem>> -> memref<16x1024xf32, #tpu.memory_space<vmem>>
    tpu.wait_dma2 semaphore(%arg17 : memref<!tpu.dma_semaphore, #tpu.memory_space<semaphore_mem>>) src(%dma_wait3A_584 : memref<16x1024xf32, #tpu.memory_space<vmem>>) dst(%dma_wait3A_580 : memref<16x1024xf32, #tpu.memory_space<hbm>>)
    %dma_start3A_585 = arith.constant 1 : i32
    %dma_start3A_586 = arith.constant 0 : i32
    %dma_start3A_587 = arith.constant 0 : i32
    %dma_start3A_588 = tpu.memref_slice %arg8[%dma_start3A_585, %dma_start3A_586, %dma_start3A_587] : memref<2x16x1024xf32, #tpu.memory_space<vmem>> -> memref<1x16x1024xf32, #tpu.memory_space<vmem>>
    %dma_start3A_589 = tpu.memref_squeeze %dma_start3A_588 : memref<1x16x1024xf32, #tpu.memory_space<vmem>> -> memref<16x1024xf32, #tpu.memory_space<vmem>>
    %dma_start3A_590 = arith.constant 112 : i32
    %dma_start3A_591 = tpu.memref_slice %arg7[%dma_start3A_590] : memref<128xi32, #tpu.memory_space<vmem>> -> memref<16xi32, #tpu.memory_space<vmem>>
    %dma_start3A_592 = arith.constant 0 : i32
    %dma_start3A_593 = arith.constant 0 : i32
    %dma_start3A_594 = tpu.memref_slice %arg2[%dma_start3A_592, %dma_start3A_593] : memref<8192x1024xf32, #tpu.memory_space<hbm>> -> memref<8192x1024xf32, #tpu.memory_space<hbm>>
    tpu.enqueue_indirect_dma source(%dma_start3A_594 : memref<8192x1024xf32, #tpu.memory_space<hbm>>) target(%dma_start3A_589 : memref<16x1024xf32, #tpu.memory_space<vmem>>) offsets(%dma_start3A_591 : memref<16xi32, #tpu.memory_space<vmem>>) semaphore(%arg11 : memref<!tpu.dma_semaphore, #tpu.memory_space<semaphore_mem>>)
    %dma_start3A_595 = arith.constant 1 : i32
    %dma_start3A_596 = arith.constant 0 : i32
    %dma_start3A_597 = arith.constant 0 : i32
    %dma_start3A_598 = tpu.memref_slice %arg9[%dma_start3A_595, %dma_start3A_596, %dma_start3A_597] : memref<2x16x1024xf32, #tpu.memory_space<vmem>> -> memref<1x16x1024xf32, #tpu.memory_space<vmem>>
    %dma_start3A_599 = tpu.memref_squeeze %dma_start3A_598 : memref<1x16x1024xf32, #tpu.memory_space<vmem>> -> memref<16x1024xf32, #tpu.memory_space<vmem>>
    %dma_start3A_600 = arith.constant 112 : i32
    %dma_start3A_601 = tpu.memref_slice %arg7[%dma_start3A_600] : memref<128xi32, #tpu.memory_space<vmem>> -> memref<16xi32, #tpu.memory_space<vmem>>
    %dma_start3A_602 = arith.constant 0 : i32
    %dma_start3A_603 = arith.constant 0 : i32
    %dma_start3A_604 = tpu.memref_slice %arg3[%dma_start3A_602, %dma_start3A_603] : memref<8192x1024xf32, #tpu.memory_space<hbm>> -> memref<8192x1024xf32, #tpu.memory_space<hbm>>
    tpu.enqueue_indirect_dma source(%dma_start3A_604 : memref<8192x1024xf32, #tpu.memory_space<hbm>>) target(%dma_start3A_599 : memref<16x1024xf32, #tpu.memory_space<vmem>>) offsets(%dma_start3A_601 : memref<16xi32, #tpu.memory_space<vmem>>) semaphore(%arg13 : memref<!tpu.dma_semaphore, #tpu.memory_space<semaphore_mem>>)
    %add3A_605 = arith.constant 96 : i32
    %add3A_606 = arith.addi %mul3A_2, %add3A_605 : i32
    %dma_wait3A_607 = arith.constant 0 : i32
    %dma_wait3A_608 = arith.constant 0 : i32
    %dma_wait3A_609 = arith.constant 0 : i32
    %dma_wait3A_610 = tpu.memref_slice %arg8[%dma_wait3A_607, %dma_wait3A_608, %dma_wait3A_609] : memref<2x16x1024xf32, #tpu.memory_space<vmem>> -> memref<1x16x1024xf32, #tpu.memory_space<vmem>>
    %dma_wait3A_611 = tpu.memref_squeeze %dma_wait3A_610 : memref<1x16x1024xf32, #tpu.memory_space<vmem>> -> memref<16x1024xf32, #tpu.memory_space<vmem>>
    %dma_wait3A_612 = arith.constant 96 : i32
    %dma_wait3A_613 = tpu.memref_slice %arg7[%dma_wait3A_612] : memref<128xi32, #tpu.memory_space<vmem>> -> memref<16xi32, #tpu.memory_space<vmem>>
    %dma_wait3A_614 = arith.constant 0 : i32
    %dma_wait3A_615 = arith.constant 0 : i32
    %dma_wait3A_616 = tpu.memref_slice %arg2[%dma_wait3A_614, %dma_wait3A_615] : memref<8192x1024xf32, #tpu.memory_space<hbm>> -> memref<8192x1024xf32, #tpu.memory_space<hbm>>
    tpu.wait_indirect_dma semaphore(%arg10 : memref<!tpu.dma_semaphore, #tpu.memory_space<semaphore_mem>>) src(%dma_wait3A_616 : memref<8192x1024xf32, #tpu.memory_space<hbm>>) dst(%dma_wait3A_611 : memref<16x1024xf32, #tpu.memory_space<vmem>>)
    %dma_start3A_617 = arith.constant 0 : i32
    %dma_start3A_618 = arith.constant 0 : i32
    %dma_start3A_619 = arith.constant 0 : i32
    %dma_start3A_620 = tpu.memref_slice %arg8[%dma_start3A_617, %dma_start3A_618, %dma_start3A_619] : memref<2x16x1024xf32, #tpu.memory_space<vmem>> -> memref<1x16x1024xf32, #tpu.memory_space<vmem>>
    %dma_start3A_621 = tpu.memref_squeeze %dma_start3A_620 : memref<1x16x1024xf32, #tpu.memory_space<vmem>> -> memref<16x1024xf32, #tpu.memory_space<vmem>>
    %dma_start3A_622 = arith.constant 0 : i32
    %dma_start3A_623 = tpu.memref_slice %arg5[%add3A_606, %dma_start3A_622] : memref<4096x1024xf32, #tpu.memory_space<hbm>> -> memref<16x1024xf32, #tpu.memory_space<hbm>>
    %dma_start3A_624 = arith.constant 0 : i32
    %dma_start3A_625 = tpu.memref_slice %arg5[%add3A_606, %dma_start3A_624] : memref<4096x1024xf32, #tpu.memory_space<hbm>> -> memref<16x1024xf32, #tpu.memory_space<hbm>>
    %dma_start3A_626 = arith.constant 0 : i32
    %dma_start3A_627 = arith.constant 0 : i32
    %dma_start3A_628 = tpu.memref_slice %arg8[%dma_start3A_617, %dma_start3A_626, %dma_start3A_627] : memref<2x16x1024xf32, #tpu.memory_space<vmem>> -> memref<1x16x1024xf32, #tpu.memory_space<vmem>>
    %dma_start3A_629 = tpu.memref_squeeze %dma_start3A_628 : memref<1x16x1024xf32, #tpu.memory_space<vmem>> -> memref<16x1024xf32, #tpu.memory_space<vmem>>
    tpu.enqueue_dma source(%dma_start3A_629 : memref<16x1024xf32, #tpu.memory_space<vmem>>) target(%dma_start3A_625 : memref<16x1024xf32, #tpu.memory_space<hbm>>) target_semaphore(%arg14 : memref<!tpu.dma_semaphore, #tpu.memory_space<semaphore_mem>>)
    %dma_wait3A_630 = arith.constant 0 : i32
    %dma_wait3A_631 = arith.constant 0 : i32
    %dma_wait3A_632 = arith.constant 0 : i32
    %dma_wait3A_633 = tpu.memref_slice %arg9[%dma_wait3A_630, %dma_wait3A_631, %dma_wait3A_632] : memref<2x16x1024xf32, #tpu.memory_space<vmem>> -> memref<1x16x1024xf32, #tpu.memory_space<vmem>>
    %dma_wait3A_634 = tpu.memref_squeeze %dma_wait3A_633 : memref<1x16x1024xf32, #tpu.memory_space<vmem>> -> memref<16x1024xf32, #tpu.memory_space<vmem>>
    %dma_wait3A_635 = arith.constant 96 : i32
    %dma_wait3A_636 = tpu.memref_slice %arg7[%dma_wait3A_635] : memref<128xi32, #tpu.memory_space<vmem>> -> memref<16xi32, #tpu.memory_space<vmem>>
    %dma_wait3A_637 = arith.constant 0 : i32
    %dma_wait3A_638 = arith.constant 0 : i32
    %dma_wait3A_639 = tpu.memref_slice %arg3[%dma_wait3A_637, %dma_wait3A_638] : memref<8192x1024xf32, #tpu.memory_space<hbm>> -> memref<8192x1024xf32, #tpu.memory_space<hbm>>
    tpu.wait_indirect_dma semaphore(%arg12 : memref<!tpu.dma_semaphore, #tpu.memory_space<semaphore_mem>>) src(%dma_wait3A_639 : memref<8192x1024xf32, #tpu.memory_space<hbm>>) dst(%dma_wait3A_634 : memref<16x1024xf32, #tpu.memory_space<vmem>>)
    %dma_start3A_640 = arith.constant 0 : i32
    %dma_start3A_641 = arith.constant 0 : i32
    %dma_start3A_642 = arith.constant 0 : i32
    %dma_start3A_643 = tpu.memref_slice %arg9[%dma_start3A_640, %dma_start3A_641, %dma_start3A_642] : memref<2x16x1024xf32, #tpu.memory_space<vmem>> -> memref<1x16x1024xf32, #tpu.memory_space<vmem>>
    %dma_start3A_644 = tpu.memref_squeeze %dma_start3A_643 : memref<1x16x1024xf32, #tpu.memory_space<vmem>> -> memref<16x1024xf32, #tpu.memory_space<vmem>>
    %dma_start3A_645 = arith.constant 0 : i32
    %dma_start3A_646 = tpu.memref_slice %arg6[%add3A_606, %dma_start3A_645] : memref<4096x1024xf32, #tpu.memory_space<hbm>> -> memref<16x1024xf32, #tpu.memory_space<hbm>>
    %dma_start3A_647 = arith.constant 0 : i32
    %dma_start3A_648 = tpu.memref_slice %arg6[%add3A_606, %dma_start3A_647] : memref<4096x1024xf32, #tpu.memory_space<hbm>> -> memref<16x1024xf32, #tpu.memory_space<hbm>>
    %dma_start3A_649 = arith.constant 0 : i32
    %dma_start3A_650 = arith.constant 0 : i32
    %dma_start3A_651 = tpu.memref_slice %arg9[%dma_start3A_640, %dma_start3A_649, %dma_start3A_650] : memref<2x16x1024xf32, #tpu.memory_space<vmem>> -> memref<1x16x1024xf32, #tpu.memory_space<vmem>>
    %dma_start3A_652 = tpu.memref_squeeze %dma_start3A_651 : memref<1x16x1024xf32, #tpu.memory_space<vmem>> -> memref<16x1024xf32, #tpu.memory_space<vmem>>
    tpu.enqueue_dma source(%dma_start3A_652 : memref<16x1024xf32, #tpu.memory_space<vmem>>) target(%dma_start3A_648 : memref<16x1024xf32, #tpu.memory_space<hbm>>) target_semaphore(%arg16 : memref<!tpu.dma_semaphore, #tpu.memory_space<semaphore_mem>>)
    %add3A_653 = arith.constant 112 : i32
    %add3A_654 = arith.addi %mul3A_2, %add3A_653 : i32
    %dma_wait3A_655 = arith.constant 1 : i32
    %dma_wait3A_656 = arith.constant 0 : i32
    %dma_wait3A_657 = arith.constant 0 : i32
    %dma_wait3A_658 = tpu.memref_slice %arg8[%dma_wait3A_655, %dma_wait3A_656, %dma_wait3A_657] : memref<2x16x1024xf32, #tpu.memory_space<vmem>> -> memref<1x16x1024xf32, #tpu.memory_space<vmem>>
    %dma_wait3A_659 = tpu.memref_squeeze %dma_wait3A_658 : memref<1x16x1024xf32, #tpu.memory_space<vmem>> -> memref<16x1024xf32, #tpu.memory_space<vmem>>
    %dma_wait3A_660 = arith.constant 112 : i32
    %dma_wait3A_661 = tpu.memref_slice %arg7[%dma_wait3A_660] : memref<128xi32, #tpu.memory_space<vmem>> -> memref<16xi32, #tpu.memory_space<vmem>>
    %dma_wait3A_662 = arith.constant 0 : i32
    %dma_wait3A_663 = arith.constant 0 : i32
    %dma_wait3A_664 = tpu.memref_slice %arg2[%dma_wait3A_662, %dma_wait3A_663] : memref<8192x1024xf32, #tpu.memory_space<hbm>> -> memref<8192x1024xf32, #tpu.memory_space<hbm>>
    tpu.wait_indirect_dma semaphore(%arg11 : memref<!tpu.dma_semaphore, #tpu.memory_space<semaphore_mem>>) src(%dma_wait3A_664 : memref<8192x1024xf32, #tpu.memory_space<hbm>>) dst(%dma_wait3A_659 : memref<16x1024xf32, #tpu.memory_space<vmem>>)
    %dma_start3A_665 = arith.constant 1 : i32
    %dma_start3A_666 = arith.constant 0 : i32
    %dma_start3A_667 = arith.constant 0 : i32
    %dma_start3A_668 = tpu.memref_slice %arg8[%dma_start3A_665, %dma_start3A_666, %dma_start3A_667] : memref<2x16x1024xf32, #tpu.memory_space<vmem>> -> memref<1x16x1024xf32, #tpu.memory_space<vmem>>
    %dma_start3A_669 = tpu.memref_squeeze %dma_start3A_668 : memref<1x16x1024xf32, #tpu.memory_space<vmem>> -> memref<16x1024xf32, #tpu.memory_space<vmem>>
    %dma_start3A_670 = arith.constant 0 : i32
    %dma_start3A_671 = tpu.memref_slice %arg5[%add3A_654, %dma_start3A_670] : memref<4096x1024xf32, #tpu.memory_space<hbm>> -> memref<16x1024xf32, #tpu.memory_space<hbm>>
    %dma_start3A_672 = arith.constant 0 : i32
    %dma_start3A_673 = tpu.memref_slice %arg5[%add3A_654, %dma_start3A_672] : memref<4096x1024xf32, #tpu.memory_space<hbm>> -> memref<16x1024xf32, #tpu.memory_space<hbm>>
    %dma_start3A_674 = arith.constant 0 : i32
    %dma_start3A_675 = arith.constant 0 : i32
    %dma_start3A_676 = tpu.memref_slice %arg8[%dma_start3A_665, %dma_start3A_674, %dma_start3A_675] : memref<2x16x1024xf32, #tpu.memory_space<vmem>> -> memref<1x16x1024xf32, #tpu.memory_space<vmem>>
    %dma_start3A_677 = tpu.memref_squeeze %dma_start3A_676 : memref<1x16x1024xf32, #tpu.memory_space<vmem>> -> memref<16x1024xf32, #tpu.memory_space<vmem>>
    tpu.enqueue_dma source(%dma_start3A_677 : memref<16x1024xf32, #tpu.memory_space<vmem>>) target(%dma_start3A_673 : memref<16x1024xf32, #tpu.memory_space<hbm>>) target_semaphore(%arg15 : memref<!tpu.dma_semaphore, #tpu.memory_space<semaphore_mem>>)
    %dma_wait3A_678 = arith.constant 1 : i32
    %dma_wait3A_679 = arith.constant 0 : i32
    %dma_wait3A_680 = arith.constant 0 : i32
    %dma_wait3A_681 = tpu.memref_slice %arg9[%dma_wait3A_678, %dma_wait3A_679, %dma_wait3A_680] : memref<2x16x1024xf32, #tpu.memory_space<vmem>> -> memref<1x16x1024xf32, #tpu.memory_space<vmem>>
    %dma_wait3A_682 = tpu.memref_squeeze %dma_wait3A_681 : memref<1x16x1024xf32, #tpu.memory_space<vmem>> -> memref<16x1024xf32, #tpu.memory_space<vmem>>
    %dma_wait3A_683 = arith.constant 112 : i32
    %dma_wait3A_684 = tpu.memref_slice %arg7[%dma_wait3A_683] : memref<128xi32, #tpu.memory_space<vmem>> -> memref<16xi32, #tpu.memory_space<vmem>>
    %dma_wait3A_685 = arith.constant 0 : i32
    %dma_wait3A_686 = arith.constant 0 : i32
    %dma_wait3A_687 = tpu.memref_slice %arg3[%dma_wait3A_685, %dma_wait3A_686] : memref<8192x1024xf32, #tpu.memory_space<hbm>> -> memref<8192x1024xf32, #tpu.memory_space<hbm>>
    tpu.wait_indirect_dma semaphore(%arg13 : memref<!tpu.dma_semaphore, #tpu.memory_space<semaphore_mem>>) src(%dma_wait3A_687 : memref<8192x1024xf32, #tpu.memory_space<hbm>>) dst(%dma_wait3A_682 : memref<16x1024xf32, #tpu.memory_space<vmem>>)
    %dma_start3A_688 = arith.constant 1 : i32
    %dma_start3A_689 = arith.constant 0 : i32
    %dma_start3A_690 = arith.constant 0 : i32
    %dma_start3A_691 = tpu.memref_slice %arg9[%dma_start3A_688, %dma_start3A_689, %dma_start3A_690] : memref<2x16x1024xf32, #tpu.memory_space<vmem>> -> memref<1x16x1024xf32, #tpu.memory_space<vmem>>
    %dma_start3A_692 = tpu.memref_squeeze %dma_start3A_691 : memref<1x16x1024xf32, #tpu.memory_space<vmem>> -> memref<16x1024xf32, #tpu.memory_space<vmem>>
    %dma_start3A_693 = arith.constant 0 : i32
    %dma_start3A_694 = tpu.memref_slice %arg6[%add3A_654, %dma_start3A_693] : memref<4096x1024xf32, #tpu.memory_space<hbm>> -> memref<16x1024xf32, #tpu.memory_space<hbm>>
    %dma_start3A_695 = arith.constant 0 : i32
    %dma_start3A_696 = tpu.memref_slice %arg6[%add3A_654, %dma_start3A_695] : memref<4096x1024xf32, #tpu.memory_space<hbm>> -> memref<16x1024xf32, #tpu.memory_space<hbm>>
    %dma_start3A_697 = arith.constant 0 : i32
    %dma_start3A_698 = arith.constant 0 : i32
    %dma_start3A_699 = tpu.memref_slice %arg9[%dma_start3A_688, %dma_start3A_697, %dma_start3A_698] : memref<2x16x1024xf32, #tpu.memory_space<vmem>> -> memref<1x16x1024xf32, #tpu.memory_space<vmem>>
    %dma_start3A_700 = tpu.memref_squeeze %dma_start3A_699 : memref<1x16x1024xf32, #tpu.memory_space<vmem>> -> memref<16x1024xf32, #tpu.memory_space<vmem>>
    tpu.enqueue_dma source(%dma_start3A_700 : memref<16x1024xf32, #tpu.memory_space<vmem>>) target(%dma_start3A_696 : memref<16x1024xf32, #tpu.memory_space<hbm>>) target_semaphore(%arg17 : memref<!tpu.dma_semaphore, #tpu.memory_space<semaphore_mem>>)
    %dma_wait3A_701 = arith.constant 0 : i32
    %dma_wait3A_702 = arith.constant 0 : i32
    %dma_wait3A_703 = arith.constant 0 : i32
    %dma_wait3A_704 = tpu.memref_slice %arg8[%dma_wait3A_701, %dma_wait3A_702, %dma_wait3A_703] : memref<2x16x1024xf32, #tpu.memory_space<vmem>> -> memref<1x16x1024xf32, #tpu.memory_space<vmem>>
    %dma_wait3A_705 = tpu.memref_squeeze %dma_wait3A_704 : memref<1x16x1024xf32, #tpu.memory_space<vmem>> -> memref<16x1024xf32, #tpu.memory_space<vmem>>
    %dma_wait3A_706 = arith.constant 0 : i32
    %dma_wait3A_707 = tpu.memref_slice %arg5[%add3A_606, %dma_wait3A_706] : memref<4096x1024xf32, #tpu.memory_space<hbm>> -> memref<16x1024xf32, #tpu.memory_space<hbm>>
    %dma_wait3A_708 = arith.constant 0 : i32
    %dma_wait3A_709 = tpu.memref_slice %arg5[%add3A_606, %dma_wait3A_708] : memref<4096x1024xf32, #tpu.memory_space<hbm>> -> memref<16x1024xf32, #tpu.memory_space<hbm>>
    %dma_wait3A_710 = arith.constant 0 : i32
    %dma_wait3A_711 = arith.constant 0 : i32
    %dma_wait3A_712 = tpu.memref_slice %arg8[%dma_wait3A_701, %dma_wait3A_710, %dma_wait3A_711] : memref<2x16x1024xf32, #tpu.memory_space<vmem>> -> memref<1x16x1024xf32, #tpu.memory_space<vmem>>
    %dma_wait3A_713 = tpu.memref_squeeze %dma_wait3A_712 : memref<1x16x1024xf32, #tpu.memory_space<vmem>> -> memref<16x1024xf32, #tpu.memory_space<vmem>>
    tpu.wait_dma2 semaphore(%arg14 : memref<!tpu.dma_semaphore, #tpu.memory_space<semaphore_mem>>) src(%dma_wait3A_713 : memref<16x1024xf32, #tpu.memory_space<vmem>>) dst(%dma_wait3A_709 : memref<16x1024xf32, #tpu.memory_space<hbm>>)
    %dma_wait3A_714 = arith.constant 0 : i32
    %dma_wait3A_715 = arith.constant 0 : i32
    %dma_wait3A_716 = arith.constant 0 : i32
    %dma_wait3A_717 = tpu.memref_slice %arg9[%dma_wait3A_714, %dma_wait3A_715, %dma_wait3A_716] : memref<2x16x1024xf32, #tpu.memory_space<vmem>> -> memref<1x16x1024xf32, #tpu.memory_space<vmem>>
    %dma_wait3A_718 = tpu.memref_squeeze %dma_wait3A_717 : memref<1x16x1024xf32, #tpu.memory_space<vmem>> -> memref<16x1024xf32, #tpu.memory_space<vmem>>
    %dma_wait3A_719 = arith.constant 0 : i32
    %dma_wait3A_720 = tpu.memref_slice %arg6[%add3A_606, %dma_wait3A_719] : memref<4096x1024xf32, #tpu.memory_space<hbm>> -> memref<16x1024xf32, #tpu.memory_space<hbm>>
    %dma_wait3A_721 = arith.constant 0 : i32
    %dma_wait3A_722 = tpu.memref_slice %arg6[%add3A_606, %dma_wait3A_721] : memref<4096x1024xf32, #tpu.memory_space<hbm>> -> memref<16x1024xf32, #tpu.memory_space<hbm>>
    %dma_wait3A_723 = arith.constant 0 : i32
    %dma_wait3A_724 = arith.constant 0 : i32
    %dma_wait3A_725 = tpu.memref_slice %arg9[%dma_wait3A_714, %dma_wait3A_723, %dma_wait3A_724] : memref<2x16x1024xf32, #tpu.memory_space<vmem>> -> memref<1x16x1024xf32, #tpu.memory_space<vmem>>
    %dma_wait3A_726 = tpu.memref_squeeze %dma_wait3A_725 : memref<1x16x1024xf32, #tpu.memory_space<vmem>> -> memref<16x1024xf32, #tpu.memory_space<vmem>>
    tpu.wait_dma2 semaphore(%arg16 : memref<!tpu.dma_semaphore, #tpu.memory_space<semaphore_mem>>) src(%dma_wait3A_726 : memref<16x1024xf32, #tpu.memory_space<vmem>>) dst(%dma_wait3A_722 : memref<16x1024xf32, #tpu.memory_space<hbm>>)
    %dma_wait3A_727 = arith.constant 1 : i32
    %dma_wait3A_728 = arith.constant 0 : i32
    %dma_wait3A_729 = arith.constant 0 : i32
    %dma_wait3A_730 = tpu.memref_slice %arg8[%dma_wait3A_727, %dma_wait3A_728, %dma_wait3A_729] : memref<2x16x1024xf32, #tpu.memory_space<vmem>> -> memref<1x16x1024xf32, #tpu.memory_space<vmem>>
    %dma_wait3A_731 = tpu.memref_squeeze %dma_wait3A_730 : memref<1x16x1024xf32, #tpu.memory_space<vmem>> -> memref<16x1024xf32, #tpu.memory_space<vmem>>
    %dma_wait3A_732 = arith.constant 0 : i32
    %dma_wait3A_733 = tpu.memref_slice %arg5[%add3A_654, %dma_wait3A_732] : memref<4096x1024xf32, #tpu.memory_space<hbm>> -> memref<16x1024xf32, #tpu.memory_space<hbm>>
    %dma_wait3A_734 = arith.constant 0 : i32
    %dma_wait3A_735 = tpu.memref_slice %arg5[%add3A_654, %dma_wait3A_734] : memref<4096x1024xf32, #tpu.memory_space<hbm>> -> memref<16x1024xf32, #tpu.memory_space<hbm>>
    %dma_wait3A_736 = arith.constant 0 : i32
    %dma_wait3A_737 = arith.constant 0 : i32
    %dma_wait3A_738 = tpu.memref_slice %arg8[%dma_wait3A_727, %dma_wait3A_736, %dma_wait3A_737] : memref<2x16x1024xf32, #tpu.memory_space<vmem>> -> memref<1x16x1024xf32, #tpu.memory_space<vmem>>
    %dma_wait3A_739 = tpu.memref_squeeze %dma_wait3A_738 : memref<1x16x1024xf32, #tpu.memory_space<vmem>> -> memref<16x1024xf32, #tpu.memory_space<vmem>>
    tpu.wait_dma2 semaphore(%arg15 : memref<!tpu.dma_semaphore, #tpu.memory_space<semaphore_mem>>) src(%dma_wait3A_739 : memref<16x1024xf32, #tpu.memory_space<vmem>>) dst(%dma_wait3A_735 : memref<16x1024xf32, #tpu.memory_space<hbm>>)
    %dma_wait3A_740 = arith.constant 1 : i32
    %dma_wait3A_741 = arith.constant 0 : i32
    %dma_wait3A_742 = arith.constant 0 : i32
    %dma_wait3A_743 = tpu.memref_slice %arg9[%dma_wait3A_740, %dma_wait3A_741, %dma_wait3A_742] : memref<2x16x1024xf32, #tpu.memory_space<vmem>> -> memref<1x16x1024xf32, #tpu.memory_space<vmem>>
    %dma_wait3A_744 = tpu.memref_squeeze %dma_wait3A_743 : memref<1x16x1024xf32, #tpu.memory_space<vmem>> -> memref<16x1024xf32, #tpu.memory_space<vmem>>
    %dma_wait3A_745 = arith.constant 0 : i32
    %dma_wait3A_746 = tpu.memref_slice %arg6[%add3A_654, %dma_wait3A_745] : memref<4096x1024xf32, #tpu.memory_space<hbm>> -> memref<16x1024xf32, #tpu.memory_space<hbm>>
    %dma_wait3A_747 = arith.constant 0 : i32
    %dma_wait3A_748 = tpu.memref_slice %arg6[%add3A_654, %dma_wait3A_747] : memref<4096x1024xf32, #tpu.memory_space<hbm>> -> memref<16x1024xf32, #tpu.memory_space<hbm>>
    %dma_wait3A_749 = arith.constant 0 : i32
    %dma_wait3A_750 = arith.constant 0 : i32
    %dma_wait3A_751 = tpu.memref_slice %arg9[%dma_wait3A_740, %dma_wait3A_749, %dma_wait3A_750] : memref<2x16x1024xf32, #tpu.memory_space<vmem>> -> memref<1x16x1024xf32, #tpu.memory_space<vmem>>
    %dma_wait3A_752 = tpu.memref_squeeze %dma_wait3A_751 : memref<1x16x1024xf32, #tpu.memory_space<vmem>> -> memref<16x1024xf32, #tpu.memory_space<vmem>>
    tpu.wait_dma2 semaphore(%arg17 : memref<!tpu.dma_semaphore, #tpu.memory_space<semaphore_mem>>) src(%dma_wait3A_752 : memref<16x1024xf32, #tpu.memory_space<vmem>>) dst(%dma_wait3A_748 : memref<16x1024xf32, #tpu.memory_space<hbm>>)
    return
  }
}

module attributes {stable_mosaic.version = 14 : i64} {
  func.func @_score_ids_kernel(%arg0: i32, %arg1: memref<1x2048x1024xf32, #tpu.memory_space<vmem>>, %arg2: memref<1x1024xf32, #tpu.memory_space<vmem>>, %arg3: memref<1024x1024xf32, #tpu.memory_space<vmem>>, %arg4: memref<1024x1024xf32, #tpu.memory_space<vmem>>, %arg5: memref<1x1x1024xi32, #tpu.memory_space<vmem>>, %arg6: memref<1x1x1024xi32, #tpu.memory_space<vmem>>) attributes {dimension_semantics = [#tpu.dimension_semantics<arbitrary>], iteration_bounds = array<i64: 4>, scalar_prefetch = 0 : i64, scratch_operands = 0 : i64, tpu.core_type = #tpu.core_type<tc>, window_params = [{transform_indices = @transform_0, window_bounds = array<i64: 1, 2048, 1024>}, {pipeline_mode = #tpu.pipeline_mode<synchronous>, transform_indices = @transform_1, window_bounds = array<i64: 1, 1024>}, {pipeline_mode = #tpu.pipeline_mode<synchronous>, transform_indices = @transform_2, window_bounds = array<i64: 1024, 1024>}, {pipeline_mode = #tpu.pipeline_mode<synchronous>, transform_indices = @transform_3, window_bounds = array<i64: 1024, 1024>}, {transform_indices = @transform_4, window_bounds = array<i64: 1, 1, 1024>}, {transform_indices = @transform_5, window_bounds = array<i64: 1, 1, 1024>}]} {
    %get3A = arith.constant 0 : index
    %get3A_0 = arith.constant 0 : index
    %get3A_1 = vector.load %arg2[%get3A, %get3A_0] : memref<1x1024xf32, #tpu.memory_space<vmem>>, vector<1x1024xf32>
    %convert_element_type3A = arith.truncf %get3A_1 : vector<1x1024xf32> to vector<1x1024xbf16>
    %get3A_2 = arith.constant 0 : index
    %get3A_3 = arith.constant 0 : index
    %get3A_4 = vector.load %arg3[%get3A_2, %get3A_3] : memref<1024x1024xf32, #tpu.memory_space<vmem>>, vector<1024x1024xf32>
    %convert_element_type3A_5 = arith.truncf %get3A_4 : vector<1024x1024xf32> to vector<1024x1024xbf16>
    %dot_general3A = arith.constant dense<0.000000e+00> : vector<1x1024xf32>
    %dot_general3A_6 = tpu.matmul %convert_element_type3A, %convert_element_type3A_5, %dot_general3A {dimension_numbers = #tpu.dot_dimension_numbers<[1], [1], [0], [0], [0, 0, 1, 0], [], []>, transpose_lhs_hint = false} : vector<1x1024xbf16>, vector<1024x1024xbf16>, vector<1x1024xf32> -> vector<1x1024xf32>
    %convert_element_type3A_7 = arith.truncf %dot_general3A_6 : vector<1x1024xf32> to vector<1x1024xbf16>
    %get3A_8 = arith.constant 0 : index
    %get3A_9 = arith.constant 0 : index
    %get3A_10 = arith.constant 0 : index
    %get3A_11 = vector.load %arg1[%get3A_8, %get3A_9, %get3A_10] : memref<1x2048x1024xf32, #tpu.memory_space<vmem>>, vector<1x2048x1024xf32>
    %get3A_12 = vector.shape_cast %get3A_11 : vector<1x2048x1024xf32> to vector<2048x1024xf32>
    %convert_element_type3A_13 = arith.truncf %get3A_12 : vector<2048x1024xf32> to vector<2048x1024xbf16>
    %get3A_14 = arith.constant 0 : index
    %get3A_15 = arith.constant 0 : index
    %get3A_16 = vector.load %arg4[%get3A_14, %get3A_15] : memref<1024x1024xf32, #tpu.memory_space<vmem>>, vector<1024x1024xf32>
    %convert_element_type3A_17 = arith.truncf %get3A_16 : vector<1024x1024xf32> to vector<1024x1024xbf16>
    %dot_general3A_18 = arith.constant dense<0.000000e+00> : vector<1024x2048xf32>
    %dot_general3A_19 = tpu.matmul %convert_element_type3A_17, %convert_element_type3A_13, %dot_general3A_18 {dimension_numbers = #tpu.dot_dimension_numbers<[1], [1], [0], [0], [0, 0, 1, 0], [], []>, transpose_lhs_hint = false} : vector<1024x1024xbf16>, vector<2048x1024xbf16>, vector<1024x2048xf32> -> vector<1024x2048xf32>
    %convert_element_type3A_20 = arith.truncf %dot_general3A_19 : vector<1024x2048xf32> to vector<1024x2048xbf16>
    %iota3A = tpu.iota {dimensions = array<i32: 1>} : vector<16x1024xi32>
    %jit3A = arith.constant 64 : i32
    %div3A = vector.broadcast %jit3A : i32 to vector<16x1024xi32>
    %div3A_21 = arith.divsi %iota3A, %div3A : vector<16x1024xi32>
    %sign3A = arith.constant 0 : i32
    %sign3A_22 = vector.broadcast %sign3A : i32 to vector<16x1024xi32>
    %sign3A_23 = arith.cmpi sgt, %iota3A, %sign3A_22 : vector<16x1024xi32>
    %sign3A_24 = arith.extui %sign3A_23 : vector<16x1024xi1> to vector<16x1024xi32>
    %sign3A_25 = arith.constant 0 : i32
    %sign3A_26 = vector.broadcast %sign3A_25 : i32 to vector<16x1024xi32>
    %sign3A_27 = arith.cmpi slt, %iota3A, %sign3A_26 : vector<16x1024xi32>
    %sign3A_28 = arith.extui %sign3A_27 : vector<16x1024xi1> to vector<16x1024xi32>
    %sign3A_29 = arith.subi %sign3A_24, %sign3A_28 : vector<16x1024xi32>
    %sign3A_30 = arith.constant 0 : i32
    %sign3A_31 = arith.cmpi sgt, %jit3A, %sign3A_30 : i32
    %sign3A_32 = arith.extui %sign3A_31 : i1 to i32
    %sign3A_33 = arith.constant 0 : i32
    %sign3A_34 = arith.cmpi slt, %jit3A, %sign3A_33 : i32
    %sign3A_35 = arith.extui %sign3A_34 : i1 to i32
    %sign3A_36 = arith.subi %sign3A_32, %sign3A_35 : i32
    %ne3A = vector.broadcast %sign3A_36 : i32 to vector<16x1024xi32>
    %ne3A_37 = arith.cmpi ne, %sign3A_29, %ne3A : vector<16x1024xi32>
    %rem3A = vector.broadcast %jit3A : i32 to vector<16x1024xi32>
    %rem3A_38 = arith.remsi %iota3A, %rem3A : vector<16x1024xi32>
    %ne3A_39 = arith.constant 0 : i32
    %ne3A_40 = vector.broadcast %ne3A_39 : i32 to vector<16x1024xi32>
    %ne3A_41 = arith.cmpi ne, %rem3A_38, %ne3A_40 : vector<16x1024xi32>
    %and3A = arith.andi %ne3A_37, %ne3A_41 : vector<16x1024xi1>
    %sub3A = arith.constant 1 : i32
    %sub3A_42 = vector.broadcast %sub3A : i32 to vector<16x1024xi32>
    %sub3A_43 = arith.subi %div3A_21, %sub3A_42 : vector<16x1024xi32>
    %select_n3A = arith.select %and3A, %sub3A_43, %div3A_21 : vector<16x1024xi1>, vector<16x1024xi32>
    %iota3A_44 = tpu.iota {dimensions = array<i32: 0>} : vector<16x1024xi32>
    %sub3A_45 = arith.subi %select_n3A, %iota3A_44 : vector<16x1024xi32>
    %abs3A = math.absi %sub3A_45 : vector<16x1024xi32>
    %min3A = arith.constant 1 : i32
    %min3A_46 = vector.broadcast %min3A : i32 to vector<16x1024xi32>
    %min3A_47 = arith.minsi %abs3A, %min3A_46 : vector<16x1024xi32>
    %sub3A_48 = arith.constant 1 : i32
    %sub3A_49 = vector.broadcast %sub3A_48 : i32 to vector<16x1024xi32>
    %sub3A_50 = arith.subi %sub3A_49, %min3A_47 : vector<16x1024xi32>
    %broadcast_in_dim3A = vector.shape_cast %convert_element_type3A_7 : vector<1x1024xbf16> to vector<1x1024xbf16>
    %broadcast_in_dim3A_51 = vector.broadcast %broadcast_in_dim3A : vector<1x1024xbf16> to vector<16x1024xbf16>
    %convert_element_type3A_52 = arith.sitofp %sub3A_50 : vector<16x1024xi32> to vector<16x1024xbf16>
    %mul3A = arith.mulf %broadcast_in_dim3A_51, %convert_element_type3A_52 : vector<16x1024xbf16>
    %dot_general3A_53 = arith.constant dense<0.000000e+00> : vector<16x2048xf32>
    %dot_general3A_54 = tpu.matmul %mul3A, %convert_element_type3A_20, %dot_general3A_53 {dimension_numbers = #tpu.dot_dimension_numbers<[1], [0], [0], [1], [0, 0, 1, 1], [], []>, transpose_lhs_hint = false} : vector<16x1024xbf16>, vector<1024x2048xbf16>, vector<16x2048xf32> -> vector<16x2048xf32>
    %mul3A_55 = arith.constant 1.250000e-01 : f32
    %mul3A_56 = vector.broadcast %mul3A_55 : f32 to vector<16x2048xf32>
    %mul3A_57 = arith.mulf %dot_general3A_54, %mul3A_56 : vector<16x2048xf32>
    %reduce_max3A = arith.constant dense<0xFF800000> : vector<16xf32>
    %reduce_max3A_58 = vector.multi_reduction <maximumf>, %mul3A_57, %reduce_max3A [1] : vector<16x2048xf32> to vector<16xf32>
    %broadcast_in_dim3A_59 = vector.shape_cast %reduce_max3A_58 : vector<16xf32> to vector<16x1xf32>
    %sub3A_60 = vector.broadcast %broadcast_in_dim3A_59 : vector<16x1xf32> to vector<16x2048xf32>
    %sub3A_61 = arith.subf %mul3A_57, %sub3A_60 : vector<16x2048xf32>
    %exp3A = math.exp %sub3A_61 : vector<16x2048xf32>
    %reduce_sum3A = arith.constant dense<0.000000e+00> : vector<16xf32>
    %reduce_sum3A_62 = vector.multi_reduction <add>, %exp3A, %reduce_sum3A [1] : vector<16x2048xf32> to vector<16xf32>
    %broadcast_in_dim3A_63 = vector.shape_cast %reduce_sum3A_62 : vector<16xf32> to vector<16x1xf32>
    %div3A_64 = vector.broadcast %broadcast_in_dim3A_63 : vector<16x1xf32> to vector<16x2048xf32>
    %div3A_65 = arith.divf %exp3A, %div3A_64 : vector<16x2048xf32>
    %reduce_sum3A_66 = arith.constant dense<0.000000e+00> : vector<2048xf32>
    %reduce_sum3A_67 = vector.multi_reduction <add>, %div3A_65, %reduce_sum3A_66 [0] : vector<16x2048xf32> to vector<2048xf32>
    %broadcast_in_dim3A_68 = vector.shape_cast %reduce_sum3A_67 : vector<2048xf32> to vector<1x2048xf32>
    %mul3A_69 = arith.constant 6.250000e-02 : f32
    %mul3A_70 = vector.broadcast %mul3A_69 : f32 to vector<1x2048xf32>
    %mul3A_71 = arith.mulf %broadcast_in_dim3A_68, %mul3A_70 : vector<1x2048xf32>
    %transpose3A = tpu.transpose %mul3A_71, [1, 0] : vector<1x2048xf32> -> vector<2048x1xf32>
    %iota3A_72 = tpu.iota {dimensions = array<i32: 1>} : vector<1x2048xi32>
    %broadcast_in_dim3A_73 = arith.constant 0 : i32
    %broadcast_in_dim3A_74 = vector.broadcast %broadcast_in_dim3A_73 : i32 to vector<1x2048xi32>
    %slice3A = vector.extract_strided_slice %transpose3A {offsets = [0, 0], sizes = [256, 1], strides = [1, 1]} : vector<2048x1xf32> to vector<256x1xf32>
    %iota3A_75 = tpu.iota {dimensions = array<i32: 0>} : vector<256x1xi32>
    %add3A = arith.constant 0 : i32
    %add3A_76 = vector.broadcast %add3A : i32 to vector<256x1xi32>
    %add3A_77 = arith.addi %iota3A_75, %add3A_76 : vector<256x1xi32>
    %gt3A = vector.broadcast %slice3A : vector<256x1xf32> to vector<256x2048xf32>
    %gt3A_78 = vector.broadcast %mul3A_71 : vector<1x2048xf32> to vector<256x2048xf32>
    %gt3A_79 = arith.cmpf ogt, %gt3A, %gt3A_78 : vector<256x2048xf32>
    %eq3A = vector.broadcast %slice3A : vector<256x1xf32> to vector<256x2048xf32>
    %eq3A_80 = vector.broadcast %mul3A_71 : vector<1x2048xf32> to vector<256x2048xf32>
    %eq3A_81 = arith.cmpf oeq, %eq3A, %eq3A_80 : vector<256x2048xf32>
    %lt3A = vector.broadcast %add3A_77 : vector<256x1xi32> to vector<256x2048xi32>
    %lt3A_82 = vector.broadcast %iota3A_72 : vector<1x2048xi32> to vector<256x2048xi32>
    %lt3A_83 = arith.cmpi slt, %lt3A, %lt3A_82 : vector<256x2048xi32>
    %and3A_84 = arith.andi %eq3A_81, %lt3A_83 : vector<256x2048xi1>
    %or3A = arith.ori %gt3A_79, %and3A_84 : vector<256x2048xi1>
    %jit3A_85 = arith.constant 1 : i32
    %jit3A_86 = arith.constant 0 : i32
    %broadcast_in_dim3A_87 = vector.broadcast %jit3A_85 : i32 to vector<256x2048xi32>
    %broadcast_in_dim3A_88 = vector.broadcast %jit3A_86 : i32 to vector<256x2048xi32>
    %select_n3A_89 = arith.select %or3A, %broadcast_in_dim3A_87, %broadcast_in_dim3A_88 : vector<256x2048xi1>, vector<256x2048xi32>
    %reduce_sum3A_90 = arith.constant dense<0> : vector<2048xi32>
    %reduce_sum3A_91 = vector.multi_reduction <add>, %select_n3A_89, %reduce_sum3A_90 [0] : vector<256x2048xi32> to vector<2048xi32>
    %broadcast_in_dim3A_92 = vector.shape_cast %reduce_sum3A_91 : vector<2048xi32> to vector<1x2048xi32>
    %add3A_93 = arith.addi %broadcast_in_dim3A_74, %broadcast_in_dim3A_92 : vector<1x2048xi32>
    %slice3A_94 = vector.extract_strided_slice %transpose3A {offsets = [256, 0], sizes = [256, 1], strides = [1, 1]} : vector<2048x1xf32> to vector<256x1xf32>
    %iota3A_95 = tpu.iota {dimensions = array<i32: 0>} : vector<256x1xi32>
    %add3A_96 = arith.constant 256 : i32
    %add3A_97 = vector.broadcast %add3A_96 : i32 to vector<256x1xi32>
    %add3A_98 = arith.addi %iota3A_95, %add3A_97 : vector<256x1xi32>
    %gt3A_99 = vector.broadcast %slice3A_94 : vector<256x1xf32> to vector<256x2048xf32>
    %gt3A_100 = vector.broadcast %mul3A_71 : vector<1x2048xf32> to vector<256x2048xf32>
    %gt3A_101 = arith.cmpf ogt, %gt3A_99, %gt3A_100 : vector<256x2048xf32>
    %eq3A_102 = vector.broadcast %slice3A_94 : vector<256x1xf32> to vector<256x2048xf32>
    %eq3A_103 = vector.broadcast %mul3A_71 : vector<1x2048xf32> to vector<256x2048xf32>
    %eq3A_104 = arith.cmpf oeq, %eq3A_102, %eq3A_103 : vector<256x2048xf32>
    %lt3A_105 = vector.broadcast %add3A_98 : vector<256x1xi32> to vector<256x2048xi32>
    %lt3A_106 = vector.broadcast %iota3A_72 : vector<1x2048xi32> to vector<256x2048xi32>
    %lt3A_107 = arith.cmpi slt, %lt3A_105, %lt3A_106 : vector<256x2048xi32>
    %and3A_108 = arith.andi %eq3A_104, %lt3A_107 : vector<256x2048xi1>
    %or3A_109 = arith.ori %gt3A_101, %and3A_108 : vector<256x2048xi1>
    %jit3A_110 = arith.constant 1 : i32
    %jit3A_111 = arith.constant 0 : i32
    %broadcast_in_dim3A_112 = vector.broadcast %jit3A_110 : i32 to vector<256x2048xi32>
    %broadcast_in_dim3A_113 = vector.broadcast %jit3A_111 : i32 to vector<256x2048xi32>
    %select_n3A_114 = arith.select %or3A_109, %broadcast_in_dim3A_112, %broadcast_in_dim3A_113 : vector<256x2048xi1>, vector<256x2048xi32>
    %reduce_sum3A_115 = arith.constant dense<0> : vector<2048xi32>
    %reduce_sum3A_116 = vector.multi_reduction <add>, %select_n3A_114, %reduce_sum3A_115 [0] : vector<256x2048xi32> to vector<2048xi32>
    %broadcast_in_dim3A_117 = vector.shape_cast %reduce_sum3A_116 : vector<2048xi32> to vector<1x2048xi32>
    %add3A_118 = arith.addi %add3A_93, %broadcast_in_dim3A_117 : vector<1x2048xi32>
    %slice3A_119 = vector.extract_strided_slice %transpose3A {offsets = [512, 0], sizes = [256, 1], strides = [1, 1]} : vector<2048x1xf32> to vector<256x1xf32>
    %iota3A_120 = tpu.iota {dimensions = array<i32: 0>} : vector<256x1xi32>
    %add3A_121 = arith.constant 512 : i32
    %add3A_122 = vector.broadcast %add3A_121 : i32 to vector<256x1xi32>
    %add3A_123 = arith.addi %iota3A_120, %add3A_122 : vector<256x1xi32>
    %gt3A_124 = vector.broadcast %slice3A_119 : vector<256x1xf32> to vector<256x2048xf32>
    %gt3A_125 = vector.broadcast %mul3A_71 : vector<1x2048xf32> to vector<256x2048xf32>
    %gt3A_126 = arith.cmpf ogt, %gt3A_124, %gt3A_125 : vector<256x2048xf32>
    %eq3A_127 = vector.broadcast %slice3A_119 : vector<256x1xf32> to vector<256x2048xf32>
    %eq3A_128 = vector.broadcast %mul3A_71 : vector<1x2048xf32> to vector<256x2048xf32>
    %eq3A_129 = arith.cmpf oeq, %eq3A_127, %eq3A_128 : vector<256x2048xf32>
    %lt3A_130 = vector.broadcast %add3A_123 : vector<256x1xi32> to vector<256x2048xi32>
    %lt3A_131 = vector.broadcast %iota3A_72 : vector<1x2048xi32> to vector<256x2048xi32>
    %lt3A_132 = arith.cmpi slt, %lt3A_130, %lt3A_131 : vector<256x2048xi32>
    %and3A_133 = arith.andi %eq3A_129, %lt3A_132 : vector<256x2048xi1>
    %or3A_134 = arith.ori %gt3A_126, %and3A_133 : vector<256x2048xi1>
    %jit3A_135 = arith.constant 1 : i32
    %jit3A_136 = arith.constant 0 : i32
    %broadcast_in_dim3A_137 = vector.broadcast %jit3A_135 : i32 to vector<256x2048xi32>
    %broadcast_in_dim3A_138 = vector.broadcast %jit3A_136 : i32 to vector<256x2048xi32>
    %select_n3A_139 = arith.select %or3A_134, %broadcast_in_dim3A_137, %broadcast_in_dim3A_138 : vector<256x2048xi1>, vector<256x2048xi32>
    %reduce_sum3A_140 = arith.constant dense<0> : vector<2048xi32>
    %reduce_sum3A_141 = vector.multi_reduction <add>, %select_n3A_139, %reduce_sum3A_140 [0] : vector<256x2048xi32> to vector<2048xi32>
    %broadcast_in_dim3A_142 = vector.shape_cast %reduce_sum3A_141 : vector<2048xi32> to vector<1x2048xi32>
    %add3A_143 = arith.addi %add3A_118, %broadcast_in_dim3A_142 : vector<1x2048xi32>
    %slice3A_144 = vector.extract_strided_slice %transpose3A {offsets = [768, 0], sizes = [256, 1], strides = [1, 1]} : vector<2048x1xf32> to vector<256x1xf32>
    %iota3A_145 = tpu.iota {dimensions = array<i32: 0>} : vector<256x1xi32>
    %add3A_146 = arith.constant 768 : i32
    %add3A_147 = vector.broadcast %add3A_146 : i32 to vector<256x1xi32>
    %add3A_148 = arith.addi %iota3A_145, %add3A_147 : vector<256x1xi32>
    %gt3A_149 = vector.broadcast %slice3A_144 : vector<256x1xf32> to vector<256x2048xf32>
    %gt3A_150 = vector.broadcast %mul3A_71 : vector<1x2048xf32> to vector<256x2048xf32>
    %gt3A_151 = arith.cmpf ogt, %gt3A_149, %gt3A_150 : vector<256x2048xf32>
    %eq3A_152 = vector.broadcast %slice3A_144 : vector<256x1xf32> to vector<256x2048xf32>
    %eq3A_153 = vector.broadcast %mul3A_71 : vector<1x2048xf32> to vector<256x2048xf32>
    %eq3A_154 = arith.cmpf oeq, %eq3A_152, %eq3A_153 : vector<256x2048xf32>
    %lt3A_155 = vector.broadcast %add3A_148 : vector<256x1xi32> to vector<256x2048xi32>
    %lt3A_156 = vector.broadcast %iota3A_72 : vector<1x2048xi32> to vector<256x2048xi32>
    %lt3A_157 = arith.cmpi slt, %lt3A_155, %lt3A_156 : vector<256x2048xi32>
    %and3A_158 = arith.andi %eq3A_154, %lt3A_157 : vector<256x2048xi1>
    %or3A_159 = arith.ori %gt3A_151, %and3A_158 : vector<256x2048xi1>
    %jit3A_160 = arith.constant 1 : i32
    %jit3A_161 = arith.constant 0 : i32
    %broadcast_in_dim3A_162 = vector.broadcast %jit3A_160 : i32 to vector<256x2048xi32>
    %broadcast_in_dim3A_163 = vector.broadcast %jit3A_161 : i32 to vector<256x2048xi32>
    %select_n3A_164 = arith.select %or3A_159, %broadcast_in_dim3A_162, %broadcast_in_dim3A_163 : vector<256x2048xi1>, vector<256x2048xi32>
    %reduce_sum3A_165 = arith.constant dense<0> : vector<2048xi32>
    %reduce_sum3A_166 = vector.multi_reduction <add>, %select_n3A_164, %reduce_sum3A_165 [0] : vector<256x2048xi32> to vector<2048xi32>
    %broadcast_in_dim3A_167 = vector.shape_cast %reduce_sum3A_166 : vector<2048xi32> to vector<1x2048xi32>
    %add3A_168 = arith.addi %add3A_143, %broadcast_in_dim3A_167 : vector<1x2048xi32>
    %slice3A_169 = vector.extract_strided_slice %transpose3A {offsets = [1024, 0], sizes = [256, 1], strides = [1, 1]} : vector<2048x1xf32> to vector<256x1xf32>
    %iota3A_170 = tpu.iota {dimensions = array<i32: 0>} : vector<256x1xi32>
    %add3A_171 = arith.constant 1024 : i32
    %add3A_172 = vector.broadcast %add3A_171 : i32 to vector<256x1xi32>
    %add3A_173 = arith.addi %iota3A_170, %add3A_172 : vector<256x1xi32>
    %gt3A_174 = vector.broadcast %slice3A_169 : vector<256x1xf32> to vector<256x2048xf32>
    %gt3A_175 = vector.broadcast %mul3A_71 : vector<1x2048xf32> to vector<256x2048xf32>
    %gt3A_176 = arith.cmpf ogt, %gt3A_174, %gt3A_175 : vector<256x2048xf32>
    %eq3A_177 = vector.broadcast %slice3A_169 : vector<256x1xf32> to vector<256x2048xf32>
    %eq3A_178 = vector.broadcast %mul3A_71 : vector<1x2048xf32> to vector<256x2048xf32>
    %eq3A_179 = arith.cmpf oeq, %eq3A_177, %eq3A_178 : vector<256x2048xf32>
    %lt3A_180 = vector.broadcast %add3A_173 : vector<256x1xi32> to vector<256x2048xi32>
    %lt3A_181 = vector.broadcast %iota3A_72 : vector<1x2048xi32> to vector<256x2048xi32>
    %lt3A_182 = arith.cmpi slt, %lt3A_180, %lt3A_181 : vector<256x2048xi32>
    %and3A_183 = arith.andi %eq3A_179, %lt3A_182 : vector<256x2048xi1>
    %or3A_184 = arith.ori %gt3A_176, %and3A_183 : vector<256x2048xi1>
    %jit3A_185 = arith.constant 1 : i32
    %jit3A_186 = arith.constant 0 : i32
    %broadcast_in_dim3A_187 = vector.broadcast %jit3A_185 : i32 to vector<256x2048xi32>
    %broadcast_in_dim3A_188 = vector.broadcast %jit3A_186 : i32 to vector<256x2048xi32>
    %select_n3A_189 = arith.select %or3A_184, %broadcast_in_dim3A_187, %broadcast_in_dim3A_188 : vector<256x2048xi1>, vector<256x2048xi32>
    %reduce_sum3A_190 = arith.constant dense<0> : vector<2048xi32>
    %reduce_sum3A_191 = vector.multi_reduction <add>, %select_n3A_189, %reduce_sum3A_190 [0] : vector<256x2048xi32> to vector<2048xi32>
    %broadcast_in_dim3A_192 = vector.shape_cast %reduce_sum3A_191 : vector<2048xi32> to vector<1x2048xi32>
    %add3A_193 = arith.addi %add3A_168, %broadcast_in_dim3A_192 : vector<1x2048xi32>
    %slice3A_194 = vector.extract_strided_slice %transpose3A {offsets = [1280, 0], sizes = [256, 1], strides = [1, 1]} : vector<2048x1xf32> to vector<256x1xf32>
    %iota3A_195 = tpu.iota {dimensions = array<i32: 0>} : vector<256x1xi32>
    %add3A_196 = arith.constant 1280 : i32
    %add3A_197 = vector.broadcast %add3A_196 : i32 to vector<256x1xi32>
    %add3A_198 = arith.addi %iota3A_195, %add3A_197 : vector<256x1xi32>
    %gt3A_199 = vector.broadcast %slice3A_194 : vector<256x1xf32> to vector<256x2048xf32>
    %gt3A_200 = vector.broadcast %mul3A_71 : vector<1x2048xf32> to vector<256x2048xf32>
    %gt3A_201 = arith.cmpf ogt, %gt3A_199, %gt3A_200 : vector<256x2048xf32>
    %eq3A_202 = vector.broadcast %slice3A_194 : vector<256x1xf32> to vector<256x2048xf32>
    %eq3A_203 = vector.broadcast %mul3A_71 : vector<1x2048xf32> to vector<256x2048xf32>
    %eq3A_204 = arith.cmpf oeq, %eq3A_202, %eq3A_203 : vector<256x2048xf32>
    %lt3A_205 = vector.broadcast %add3A_198 : vector<256x1xi32> to vector<256x2048xi32>
    %lt3A_206 = vector.broadcast %iota3A_72 : vector<1x2048xi32> to vector<256x2048xi32>
    %lt3A_207 = arith.cmpi slt, %lt3A_205, %lt3A_206 : vector<256x2048xi32>
    %and3A_208 = arith.andi %eq3A_204, %lt3A_207 : vector<256x2048xi1>
    %or3A_209 = arith.ori %gt3A_201, %and3A_208 : vector<256x2048xi1>
    %jit3A_210 = arith.constant 1 : i32
    %jit3A_211 = arith.constant 0 : i32
    %broadcast_in_dim3A_212 = vector.broadcast %jit3A_210 : i32 to vector<256x2048xi32>
    %broadcast_in_dim3A_213 = vector.broadcast %jit3A_211 : i32 to vector<256x2048xi32>
    %select_n3A_214 = arith.select %or3A_209, %broadcast_in_dim3A_212, %broadcast_in_dim3A_213 : vector<256x2048xi1>, vector<256x2048xi32>
    %reduce_sum3A_215 = arith.constant dense<0> : vector<2048xi32>
    %reduce_sum3A_216 = vector.multi_reduction <add>, %select_n3A_214, %reduce_sum3A_215 [0] : vector<256x2048xi32> to vector<2048xi32>
    %broadcast_in_dim3A_217 = vector.shape_cast %reduce_sum3A_216 : vector<2048xi32> to vector<1x2048xi32>
    %add3A_218 = arith.addi %add3A_193, %broadcast_in_dim3A_217 : vector<1x2048xi32>
    %slice3A_219 = vector.extract_strided_slice %transpose3A {offsets = [1536, 0], sizes = [256, 1], strides = [1, 1]} : vector<2048x1xf32> to vector<256x1xf32>
    %iota3A_220 = tpu.iota {dimensions = array<i32: 0>} : vector<256x1xi32>
    %add3A_221 = arith.constant 1536 : i32
    %add3A_222 = vector.broadcast %add3A_221 : i32 to vector<256x1xi32>
    %add3A_223 = arith.addi %iota3A_220, %add3A_222 : vector<256x1xi32>
    %gt3A_224 = vector.broadcast %slice3A_219 : vector<256x1xf32> to vector<256x2048xf32>
    %gt3A_225 = vector.broadcast %mul3A_71 : vector<1x2048xf32> to vector<256x2048xf32>
    %gt3A_226 = arith.cmpf ogt, %gt3A_224, %gt3A_225 : vector<256x2048xf32>
    %eq3A_227 = vector.broadcast %slice3A_219 : vector<256x1xf32> to vector<256x2048xf32>
    %eq3A_228 = vector.broadcast %mul3A_71 : vector<1x2048xf32> to vector<256x2048xf32>
    %eq3A_229 = arith.cmpf oeq, %eq3A_227, %eq3A_228 : vector<256x2048xf32>
    %lt3A_230 = vector.broadcast %add3A_223 : vector<256x1xi32> to vector<256x2048xi32>
    %lt3A_231 = vector.broadcast %iota3A_72 : vector<1x2048xi32> to vector<256x2048xi32>
    %lt3A_232 = arith.cmpi slt, %lt3A_230, %lt3A_231 : vector<256x2048xi32>
    %and3A_233 = arith.andi %eq3A_229, %lt3A_232 : vector<256x2048xi1>
    %or3A_234 = arith.ori %gt3A_226, %and3A_233 : vector<256x2048xi1>
    %jit3A_235 = arith.constant 1 : i32
    %jit3A_236 = arith.constant 0 : i32
    %broadcast_in_dim3A_237 = vector.broadcast %jit3A_235 : i32 to vector<256x2048xi32>
    %broadcast_in_dim3A_238 = vector.broadcast %jit3A_236 : i32 to vector<256x2048xi32>
    %select_n3A_239 = arith.select %or3A_234, %broadcast_in_dim3A_237, %broadcast_in_dim3A_238 : vector<256x2048xi1>, vector<256x2048xi32>
    %reduce_sum3A_240 = arith.constant dense<0> : vector<2048xi32>
    %reduce_sum3A_241 = vector.multi_reduction <add>, %select_n3A_239, %reduce_sum3A_240 [0] : vector<256x2048xi32> to vector<2048xi32>
    %broadcast_in_dim3A_242 = vector.shape_cast %reduce_sum3A_241 : vector<2048xi32> to vector<1x2048xi32>
    %add3A_243 = arith.addi %add3A_218, %broadcast_in_dim3A_242 : vector<1x2048xi32>
    %slice3A_244 = vector.extract_strided_slice %transpose3A {offsets = [1792, 0], sizes = [256, 1], strides = [1, 1]} : vector<2048x1xf32> to vector<256x1xf32>
    %iota3A_245 = tpu.iota {dimensions = array<i32: 0>} : vector<256x1xi32>
    %add3A_246 = arith.constant 1792 : i32
    %add3A_247 = vector.broadcast %add3A_246 : i32 to vector<256x1xi32>
    %add3A_248 = arith.addi %iota3A_245, %add3A_247 : vector<256x1xi32>
    %gt3A_249 = vector.broadcast %slice3A_244 : vector<256x1xf32> to vector<256x2048xf32>
    %gt3A_250 = vector.broadcast %mul3A_71 : vector<1x2048xf32> to vector<256x2048xf32>
    %gt3A_251 = arith.cmpf ogt, %gt3A_249, %gt3A_250 : vector<256x2048xf32>
    %eq3A_252 = vector.broadcast %slice3A_244 : vector<256x1xf32> to vector<256x2048xf32>
    %eq3A_253 = vector.broadcast %mul3A_71 : vector<1x2048xf32> to vector<256x2048xf32>
    %eq3A_254 = arith.cmpf oeq, %eq3A_252, %eq3A_253 : vector<256x2048xf32>
    %lt3A_255 = vector.broadcast %add3A_248 : vector<256x1xi32> to vector<256x2048xi32>
    %lt3A_256 = vector.broadcast %iota3A_72 : vector<1x2048xi32> to vector<256x2048xi32>
    %lt3A_257 = arith.cmpi slt, %lt3A_255, %lt3A_256 : vector<256x2048xi32>
    %and3A_258 = arith.andi %eq3A_254, %lt3A_257 : vector<256x2048xi1>
    %or3A_259 = arith.ori %gt3A_251, %and3A_258 : vector<256x2048xi1>
    %jit3A_260 = arith.constant 1 : i32
    %jit3A_261 = arith.constant 0 : i32
    %broadcast_in_dim3A_262 = vector.broadcast %jit3A_260 : i32 to vector<256x2048xi32>
    %broadcast_in_dim3A_263 = vector.broadcast %jit3A_261 : i32 to vector<256x2048xi32>
    %select_n3A_264 = arith.select %or3A_259, %broadcast_in_dim3A_262, %broadcast_in_dim3A_263 : vector<256x2048xi1>, vector<256x2048xi32>
    %reduce_sum3A_265 = arith.constant dense<0> : vector<2048xi32>
    %reduce_sum3A_266 = vector.multi_reduction <add>, %select_n3A_264, %reduce_sum3A_265 [0] : vector<256x2048xi32> to vector<2048xi32>
    %broadcast_in_dim3A_267 = vector.shape_cast %reduce_sum3A_266 : vector<2048xi32> to vector<1x2048xi32>
    %add3A_268 = arith.addi %add3A_243, %broadcast_in_dim3A_267 : vector<1x2048xi32>
    %transpose3A_269 = tpu.transpose %add3A_268, [1, 0] : vector<1x2048xi32> -> vector<2048x1xi32>
    %iota3A_270 = tpu.iota {dimensions = array<i32: 1>} : vector<1x1024xi32>
    %broadcast_in_dim3A_271 = arith.constant 0 : i32
    %broadcast_in_dim3A_272 = vector.broadcast %broadcast_in_dim3A_271 : i32 to vector<1x1024xi32>
    %slice3A_273 = vector.extract_strided_slice %transpose3A_269 {offsets = [0, 0], sizes = [256, 1], strides = [1, 1]} : vector<2048x1xi32> to vector<256x1xi32>
    %iota3A_274 = tpu.iota {dimensions = array<i32: 0>} : vector<256x1xi32>
    %add3A_275 = arith.constant 0 : i32
    %add3A_276 = vector.broadcast %add3A_275 : i32 to vector<256x1xi32>
    %add3A_277 = arith.addi %iota3A_274, %add3A_276 : vector<256x1xi32>
    %eq3A_278 = vector.broadcast %slice3A_273 : vector<256x1xi32> to vector<256x1024xi32>
    %eq3A_279 = vector.broadcast %iota3A_270 : vector<1x1024xi32> to vector<256x1024xi32>
    %eq3A_280 = arith.cmpi eq, %eq3A_278, %eq3A_279 : vector<256x1024xi32>
    %jit3A_281 = arith.constant 0 : i32
    %broadcast_in_dim3A_282 = vector.shape_cast %add3A_277 : vector<256x1xi32> to vector<256x1xi32>
    %broadcast_in_dim3A_283 = vector.broadcast %broadcast_in_dim3A_282 : vector<256x1xi32> to vector<256x1024xi32>
    %broadcast_in_dim3A_284 = vector.broadcast %jit3A_281 : i32 to vector<256x1024xi32>
    %select_n3A_285 = arith.select %eq3A_280, %broadcast_in_dim3A_283, %broadcast_in_dim3A_284 : vector<256x1024xi1>, vector<256x1024xi32>
    %reduce_sum3A_286 = arith.constant dense<0> : vector<1024xi32>
    %reduce_sum3A_287 = vector.multi_reduction <add>, %select_n3A_285, %reduce_sum3A_286 [0] : vector<256x1024xi32> to vector<1024xi32>
    %broadcast_in_dim3A_288 = vector.shape_cast %reduce_sum3A_287 : vector<1024xi32> to vector<1x1024xi32>
    %add3A_289 = arith.addi %broadcast_in_dim3A_272, %broadcast_in_dim3A_288 : vector<1x1024xi32>
    %slice3A_290 = vector.extract_strided_slice %transpose3A_269 {offsets = [256, 0], sizes = [256, 1], strides = [1, 1]} : vector<2048x1xi32> to vector<256x1xi32>
    %iota3A_291 = tpu.iota {dimensions = array<i32: 0>} : vector<256x1xi32>
    %add3A_292 = arith.constant 256 : i32
    %add3A_293 = vector.broadcast %add3A_292 : i32 to vector<256x1xi32>
    %add3A_294 = arith.addi %iota3A_291, %add3A_293 : vector<256x1xi32>
    %eq3A_295 = vector.broadcast %slice3A_290 : vector<256x1xi32> to vector<256x1024xi32>
    %eq3A_296 = vector.broadcast %iota3A_270 : vector<1x1024xi32> to vector<256x1024xi32>
    %eq3A_297 = arith.cmpi eq, %eq3A_295, %eq3A_296 : vector<256x1024xi32>
    %jit3A_298 = arith.constant 0 : i32
    %broadcast_in_dim3A_299 = vector.shape_cast %add3A_294 : vector<256x1xi32> to vector<256x1xi32>
    %broadcast_in_dim3A_300 = vector.broadcast %broadcast_in_dim3A_299 : vector<256x1xi32> to vector<256x1024xi32>
    %broadcast_in_dim3A_301 = vector.broadcast %jit3A_298 : i32 to vector<256x1024xi32>
    %select_n3A_302 = arith.select %eq3A_297, %broadcast_in_dim3A_300, %broadcast_in_dim3A_301 : vector<256x1024xi1>, vector<256x1024xi32>
    %reduce_sum3A_303 = arith.constant dense<0> : vector<1024xi32>
    %reduce_sum3A_304 = vector.multi_reduction <add>, %select_n3A_302, %reduce_sum3A_303 [0] : vector<256x1024xi32> to vector<1024xi32>
    %broadcast_in_dim3A_305 = vector.shape_cast %reduce_sum3A_304 : vector<1024xi32> to vector<1x1024xi32>
    %add3A_306 = arith.addi %add3A_289, %broadcast_in_dim3A_305 : vector<1x1024xi32>
    %slice3A_307 = vector.extract_strided_slice %transpose3A_269 {offsets = [512, 0], sizes = [256, 1], strides = [1, 1]} : vector<2048x1xi32> to vector<256x1xi32>
    %iota3A_308 = tpu.iota {dimensions = array<i32: 0>} : vector<256x1xi32>
    %add3A_309 = arith.constant 512 : i32
    %add3A_310 = vector.broadcast %add3A_309 : i32 to vector<256x1xi32>
    %add3A_311 = arith.addi %iota3A_308, %add3A_310 : vector<256x1xi32>
    %eq3A_312 = vector.broadcast %slice3A_307 : vector<256x1xi32> to vector<256x1024xi32>
    %eq3A_313 = vector.broadcast %iota3A_270 : vector<1x1024xi32> to vector<256x1024xi32>
    %eq3A_314 = arith.cmpi eq, %eq3A_312, %eq3A_313 : vector<256x1024xi32>
    %jit3A_315 = arith.constant 0 : i32
    %broadcast_in_dim3A_316 = vector.shape_cast %add3A_311 : vector<256x1xi32> to vector<256x1xi32>
    %broadcast_in_dim3A_317 = vector.broadcast %broadcast_in_dim3A_316 : vector<256x1xi32> to vector<256x1024xi32>
    %broadcast_in_dim3A_318 = vector.broadcast %jit3A_315 : i32 to vector<256x1024xi32>
    %select_n3A_319 = arith.select %eq3A_314, %broadcast_in_dim3A_317, %broadcast_in_dim3A_318 : vector<256x1024xi1>, vector<256x1024xi32>
    %reduce_sum3A_320 = arith.constant dense<0> : vector<1024xi32>
    %reduce_sum3A_321 = vector.multi_reduction <add>, %select_n3A_319, %reduce_sum3A_320 [0] : vector<256x1024xi32> to vector<1024xi32>
    %broadcast_in_dim3A_322 = vector.shape_cast %reduce_sum3A_321 : vector<1024xi32> to vector<1x1024xi32>
    %add3A_323 = arith.addi %add3A_306, %broadcast_in_dim3A_322 : vector<1x1024xi32>
    %slice3A_324 = vector.extract_strided_slice %transpose3A_269 {offsets = [768, 0], sizes = [256, 1], strides = [1, 1]} : vector<2048x1xi32> to vector<256x1xi32>
    %iota3A_325 = tpu.iota {dimensions = array<i32: 0>} : vector<256x1xi32>
    %add3A_326 = arith.constant 768 : i32
    %add3A_327 = vector.broadcast %add3A_326 : i32 to vector<256x1xi32>
    %add3A_328 = arith.addi %iota3A_325, %add3A_327 : vector<256x1xi32>
    %eq3A_329 = vector.broadcast %slice3A_324 : vector<256x1xi32> to vector<256x1024xi32>
    %eq3A_330 = vector.broadcast %iota3A_270 : vector<1x1024xi32> to vector<256x1024xi32>
    %eq3A_331 = arith.cmpi eq, %eq3A_329, %eq3A_330 : vector<256x1024xi32>
    %jit3A_332 = arith.constant 0 : i32
    %broadcast_in_dim3A_333 = vector.shape_cast %add3A_328 : vector<256x1xi32> to vector<256x1xi32>
    %broadcast_in_dim3A_334 = vector.broadcast %broadcast_in_dim3A_333 : vector<256x1xi32> to vector<256x1024xi32>
    %broadcast_in_dim3A_335 = vector.broadcast %jit3A_332 : i32 to vector<256x1024xi32>
    %select_n3A_336 = arith.select %eq3A_331, %broadcast_in_dim3A_334, %broadcast_in_dim3A_335 : vector<256x1024xi1>, vector<256x1024xi32>
    %reduce_sum3A_337 = arith.constant dense<0> : vector<1024xi32>
    %reduce_sum3A_338 = vector.multi_reduction <add>, %select_n3A_336, %reduce_sum3A_337 [0] : vector<256x1024xi32> to vector<1024xi32>
    %broadcast_in_dim3A_339 = vector.shape_cast %reduce_sum3A_338 : vector<1024xi32> to vector<1x1024xi32>
    %add3A_340 = arith.addi %add3A_323, %broadcast_in_dim3A_339 : vector<1x1024xi32>
    %slice3A_341 = vector.extract_strided_slice %transpose3A_269 {offsets = [1024, 0], sizes = [256, 1], strides = [1, 1]} : vector<2048x1xi32> to vector<256x1xi32>
    %iota3A_342 = tpu.iota {dimensions = array<i32: 0>} : vector<256x1xi32>
    %add3A_343 = arith.constant 1024 : i32
    %add3A_344 = vector.broadcast %add3A_343 : i32 to vector<256x1xi32>
    %add3A_345 = arith.addi %iota3A_342, %add3A_344 : vector<256x1xi32>
    %eq3A_346 = vector.broadcast %slice3A_341 : vector<256x1xi32> to vector<256x1024xi32>
    %eq3A_347 = vector.broadcast %iota3A_270 : vector<1x1024xi32> to vector<256x1024xi32>
    %eq3A_348 = arith.cmpi eq, %eq3A_346, %eq3A_347 : vector<256x1024xi32>
    %jit3A_349 = arith.constant 0 : i32
    %broadcast_in_dim3A_350 = vector.shape_cast %add3A_345 : vector<256x1xi32> to vector<256x1xi32>
    %broadcast_in_dim3A_351 = vector.broadcast %broadcast_in_dim3A_350 : vector<256x1xi32> to vector<256x1024xi32>
    %broadcast_in_dim3A_352 = vector.broadcast %jit3A_349 : i32 to vector<256x1024xi32>
    %select_n3A_353 = arith.select %eq3A_348, %broadcast_in_dim3A_351, %broadcast_in_dim3A_352 : vector<256x1024xi1>, vector<256x1024xi32>
    %reduce_sum3A_354 = arith.constant dense<0> : vector<1024xi32>
    %reduce_sum3A_355 = vector.multi_reduction <add>, %select_n3A_353, %reduce_sum3A_354 [0] : vector<256x1024xi32> to vector<1024xi32>
    %broadcast_in_dim3A_356 = vector.shape_cast %reduce_sum3A_355 : vector<1024xi32> to vector<1x1024xi32>
    %add3A_357 = arith.addi %add3A_340, %broadcast_in_dim3A_356 : vector<1x1024xi32>
    %slice3A_358 = vector.extract_strided_slice %transpose3A_269 {offsets = [1280, 0], sizes = [256, 1], strides = [1, 1]} : vector<2048x1xi32> to vector<256x1xi32>
    %iota3A_359 = tpu.iota {dimensions = array<i32: 0>} : vector<256x1xi32>
    %add3A_360 = arith.constant 1280 : i32
    %add3A_361 = vector.broadcast %add3A_360 : i32 to vector<256x1xi32>
    %add3A_362 = arith.addi %iota3A_359, %add3A_361 : vector<256x1xi32>
    %eq3A_363 = vector.broadcast %slice3A_358 : vector<256x1xi32> to vector<256x1024xi32>
    %eq3A_364 = vector.broadcast %iota3A_270 : vector<1x1024xi32> to vector<256x1024xi32>
    %eq3A_365 = arith.cmpi eq, %eq3A_363, %eq3A_364 : vector<256x1024xi32>
    %jit3A_366 = arith.constant 0 : i32
    %broadcast_in_dim3A_367 = vector.shape_cast %add3A_362 : vector<256x1xi32> to vector<256x1xi32>
    %broadcast_in_dim3A_368 = vector.broadcast %broadcast_in_dim3A_367 : vector<256x1xi32> to vector<256x1024xi32>
    %broadcast_in_dim3A_369 = vector.broadcast %jit3A_366 : i32 to vector<256x1024xi32>
    %select_n3A_370 = arith.select %eq3A_365, %broadcast_in_dim3A_368, %broadcast_in_dim3A_369 : vector<256x1024xi1>, vector<256x1024xi32>
    %reduce_sum3A_371 = arith.constant dense<0> : vector<1024xi32>
    %reduce_sum3A_372 = vector.multi_reduction <add>, %select_n3A_370, %reduce_sum3A_371 [0] : vector<256x1024xi32> to vector<1024xi32>
    %broadcast_in_dim3A_373 = vector.shape_cast %reduce_sum3A_372 : vector<1024xi32> to vector<1x1024xi32>
    %add3A_374 = arith.addi %add3A_357, %broadcast_in_dim3A_373 : vector<1x1024xi32>
    %slice3A_375 = vector.extract_strided_slice %transpose3A_269 {offsets = [1536, 0], sizes = [256, 1], strides = [1, 1]} : vector<2048x1xi32> to vector<256x1xi32>
    %iota3A_376 = tpu.iota {dimensions = array<i32: 0>} : vector<256x1xi32>
    %add3A_377 = arith.constant 1536 : i32
    %add3A_378 = vector.broadcast %add3A_377 : i32 to vector<256x1xi32>
    %add3A_379 = arith.addi %iota3A_376, %add3A_378 : vector<256x1xi32>
    %eq3A_380 = vector.broadcast %slice3A_375 : vector<256x1xi32> to vector<256x1024xi32>
    %eq3A_381 = vector.broadcast %iota3A_270 : vector<1x1024xi32> to vector<256x1024xi32>
    %eq3A_382 = arith.cmpi eq, %eq3A_380, %eq3A_381 : vector<256x1024xi32>
    %jit3A_383 = arith.constant 0 : i32
    %broadcast_in_dim3A_384 = vector.shape_cast %add3A_379 : vector<256x1xi32> to vector<256x1xi32>
    %broadcast_in_dim3A_385 = vector.broadcast %broadcast_in_dim3A_384 : vector<256x1xi32> to vector<256x1024xi32>
    %broadcast_in_dim3A_386 = vector.broadcast %jit3A_383 : i32 to vector<256x1024xi32>
    %select_n3A_387 = arith.select %eq3A_382, %broadcast_in_dim3A_385, %broadcast_in_dim3A_386 : vector<256x1024xi1>, vector<256x1024xi32>
    %reduce_sum3A_388 = arith.constant dense<0> : vector<1024xi32>
    %reduce_sum3A_389 = vector.multi_reduction <add>, %select_n3A_387, %reduce_sum3A_388 [0] : vector<256x1024xi32> to vector<1024xi32>
    %broadcast_in_dim3A_390 = vector.shape_cast %reduce_sum3A_389 : vector<1024xi32> to vector<1x1024xi32>
    %add3A_391 = arith.addi %add3A_374, %broadcast_in_dim3A_390 : vector<1x1024xi32>
    %slice3A_392 = vector.extract_strided_slice %transpose3A_269 {offsets = [1792, 0], sizes = [256, 1], strides = [1, 1]} : vector<2048x1xi32> to vector<256x1xi32>
    %iota3A_393 = tpu.iota {dimensions = array<i32: 0>} : vector<256x1xi32>
    %add3A_394 = arith.constant 1792 : i32
    %add3A_395 = vector.broadcast %add3A_394 : i32 to vector<256x1xi32>
    %add3A_396 = arith.addi %iota3A_393, %add3A_395 : vector<256x1xi32>
    %eq3A_397 = vector.broadcast %slice3A_392 : vector<256x1xi32> to vector<256x1024xi32>
    %eq3A_398 = vector.broadcast %iota3A_270 : vector<1x1024xi32> to vector<256x1024xi32>
    %eq3A_399 = arith.cmpi eq, %eq3A_397, %eq3A_398 : vector<256x1024xi32>
    %jit3A_400 = arith.constant 0 : i32
    %broadcast_in_dim3A_401 = vector.shape_cast %add3A_396 : vector<256x1xi32> to vector<256x1xi32>
    %broadcast_in_dim3A_402 = vector.broadcast %broadcast_in_dim3A_401 : vector<256x1xi32> to vector<256x1024xi32>
    %broadcast_in_dim3A_403 = vector.broadcast %jit3A_400 : i32 to vector<256x1024xi32>
    %select_n3A_404 = arith.select %eq3A_399, %broadcast_in_dim3A_402, %broadcast_in_dim3A_403 : vector<256x1024xi1>, vector<256x1024xi32>
    %reduce_sum3A_405 = arith.constant dense<0> : vector<1024xi32>
    %reduce_sum3A_406 = vector.multi_reduction <add>, %select_n3A_404, %reduce_sum3A_405 [0] : vector<256x1024xi32> to vector<1024xi32>
    %broadcast_in_dim3A_407 = vector.shape_cast %reduce_sum3A_406 : vector<1024xi32> to vector<1x1024xi32>
    %add3A_408 = arith.addi %add3A_391, %broadcast_in_dim3A_407 : vector<1x1024xi32>
    %reshape3A = vector.shape_cast %add3A_408 : vector<1x1024xi32> to vector<1x1x1024xi32>
    %swap3A = arith.constant 0 : index
    %swap3A_409 = arith.constant 0 : index
    %swap3A_410 = arith.constant 0 : index
    %swap3A_411 = vector.load %arg5[%swap3A, %swap3A_409, %swap3A_410] : memref<1x1x1024xi32, #tpu.memory_space<vmem>>, vector<1x1x1024xi32>
    tpu.vector_store %arg5[%swap3A, %swap3A_409, %swap3A_410], %reshape3A {strides = array<i32>} : memref<1x1x1024xi32, #tpu.memory_space<vmem>>, vector<1x1x1024xi32>,
    %mul3A_412 = arith.constant 2048 : i32
    %mul3A_413 = arith.muli %arg0, %mul3A_412 : i32
    %add3A_414 = vector.broadcast %mul3A_413 : i32 to vector<1x1024xi32>
    %add3A_415 = arith.addi %add3A_408, %add3A_414 : vector<1x1024xi32>
    %reshape3A_416 = vector.shape_cast %add3A_415 : vector<1x1024xi32> to vector<1x1x1024xi32>
    %swap3A_417 = arith.constant 0 : index
    %swap3A_418 = arith.constant 0 : index
    %swap3A_419 = arith.constant 0 : index
    %swap3A_420 = vector.load %arg6[%swap3A_417, %swap3A_418, %swap3A_419] : memref<1x1x1024xi32, #tpu.memory_space<vmem>>, vector<1x1x1024xi32>
    tpu.vector_store %arg6[%swap3A_417, %swap3A_418, %swap3A_419], %reshape3A_416 {strides = array<i32>} : memref<1x1x1024xi32, #tpu.memory_space<vmem>>, vector<1x1x1024xi32>,
    return
  }
  func.func @transform_0(%arg0: i32) -> (i32, i32, i32) {
    %c0_i32 = arith.constant 0 : i32
    %c0_i32_0 = arith.constant 0 : i32
    %c0_i32_1 = arith.constant 0 : i32
    return %arg0, %c0_i32, %c0_i32_0 : i32, i32, i32
  }
  func.func @transform_1(%arg0: i32) -> (i32, i32) {
    %c0_i32 = arith.constant 0 : i32
    %c0_i32_0 = arith.constant 0 : i32
    %c0_i32_1 = arith.constant 0 : i32
    return %c0_i32, %c0_i32_0 : i32, i32
  }
  func.func @transform_2(%arg0: i32) -> (i32, i32) {
    %c0_i32 = arith.constant 0 : i32
    %c0_i32_0 = arith.constant 0 : i32
    %c0_i32_1 = arith.constant 0 : i32
    return %c0_i32, %c0_i32_0 : i32, i32
  }
  func.func @transform_3(%arg0: i32) -> (i32, i32) {
    %c0_i32 = arith.constant 0 : i32
    %c0_i32_0 = arith.constant 0 : i32
    %c0_i32_1 = arith.constant 0 : i32
    return %c0_i32, %c0_i32_0 : i32, i32
  }
  func.func @transform_4(%arg0: i32) -> (i32, i32, i32) {
    %c0_i32 = arith.constant 0 : i32
    %c0_i32_0 = arith.constant 0 : i32
    %c0_i32_1 = arith.constant 0 : i32
    return %arg0, %c0_i32, %c0_i32_0 : i32, i32, i32
  }
  func.func @transform_5(%arg0: i32) -> (i32, i32, i32) {
    %c0_i32 = arith.constant 0 : i32
    %c0_i32_0 = arith.constant 0 : i32
    %c0_i32_1 = arith.constant 0 : i32
    return %arg0, %c0_i32, %c0_i32_0 : i32, i32, i32
  }
}

</mosaic_0001>

<sc_bundles>
// kernel: kernel.4.cloned.1.call-start
scs
__scs_entry_jumppad:
0x0: {  	(pc) =	sbr.rel $0x88, $3  }
0x1: {  	(tag) =	ssettag $0x0;
	lr =	simm.s32 $0x1  }
0x2: {  	[smem:$0x3F9C] =	sst lr;
	_ =	strace $0xD0000000  }
0x3: {  	_ = 	snop  }
0x4: {  	_ = 	snop  }
0x5: {  	_ = 	snop  }
0x6: {  	_ = 	snop  }
0x7: {  	_ = 	snop  }
__scs_overlays_trampoline_lowered:
0x8: {  	[smem:$0x3FAB] =	sst s0  }
0x9: {  	[smem:$0x3FAC] =	sst s1  }
0xa: {  	[smem:$0x3FAD] =	sst s2  }
0xb: {  	[smem:$0x3FAE] =	sst s3  }
0xc: {  	[smem:$0x3FAF] =	sst s4  }
0xd: {  	[smem:$0x3FB0] =	sst s5  }
0xe: {  	[smem:$0x3FB1] =	sst s6  }
0xf: {  	[smem:$0x3FB2] =	sst s7  }
0x10: {  	[smem:$0x3FB3] =	sst s8  }
0x11: {  	[smem:$0x3FB4] =	sst s9;
	s0 =	simm.s32 @!p0 $0x0  }
0x12: {  	s1 =	sld [smem:$0x3F9A];
	s0 =	simm.s32 @p0 $0x1  }
0x13: {  	[smem:$0x3FB5] =	sst s0;
	s0 =	simm.s32 @!p1 $0x0  }
0x14: {  	s2 =	sld [smem:$0x3F99];
	s0 =	simm.s32 @p1 $0x1  }
0x15: {  	[smem:$0x3FB6] =	sst s0;
	s0 =	simm.s32 @!p2 $0x0  }
0x16: {  	s3 =	sld [smem:$0x3FDB];
	s0 =	simm.s32 @p2 $0x1  }
0x17: {  	s4 =	simm.s32 $0x1BF5;
	[smem:$0x3FB8] =	sst s0  }
0x18: {  	s0 =	sld [smem:$0x3F9B];
	_ =	swait.ge [sflag:s4], $0x0  }
0x19: {  	s7 =	sld [smem:$0x3F9C]  }
0x1a: {  	s8 =	sadd.s32 $0xFFFFE003, lr  }
0x1b: {  	s9 =	sadd.s32 $0xFFFFFEF7, lr;
	s5 =	simm.s32 $0xFFFFFFFF;
	p2 =	slt.u32 s8, $0xFFFFF086  }
0x1c: {  	p1 =	slt.u32 s9, $0xF7A;
	s5 =	simm.s32 @!p2 $0x0  }
0x1d: {  	s5 =	simm.s32 @p1 $0x1;
	p0 =	seq.s32 s7, s2  }
0x1e: {  	s7 =	smul.u32 @!p0 $0xF7A, s2;
	p2 =	seq.s32 @!p0 s5, $0x0  }
0x1f: {  	s9 =	smul.u32 $0xF7A, s1;
	s8 =	simm.s32 @!p0 $0x1BF5;
	p2 =	por !p2, p0  }
0x20: {  	[sflag:s8] =	ssyncset.s32 @!p0 $0xFFFFF086;
	s6 =	sadd.s32 @!p0 s3, s7;
	s7 =	simm.s32 @!p0 $0x108  }
0x21: {  	s3 =	sadd.s32 s3, s9;
	s6 =	sadd.s32 @!p0 $0x88, s6;
	s7 =	simm.s32 @p2 $0x1082  }
0x22: {  	[simem:s7], [sflag:s8] =	dma.local @!p0 [hbm:s6], $0xF7A  }
0x23: {  	s9 =	sor.u32 $0xD0000000, s2;
	s6 =	simm.s32 $0x108;
	_ =	swait.ge @!p0 [sflag:s8], $0x0  }
0x24: {  	s3 =	sadd.s32 $0x88, s3;
	s6 =	simm.s32 @!p1 $0x1082;
	[sflag:s4] =	ssyncset.s32 $0xFFFFF086  }
0x25: {  	[simem:s6], [sflag:s4] =	dma.local [hbm:s3], $0xF7A  }
0x26: {  	[smem:$0x3F9C] =	sst s1;
	(tag) =	ssettag s2;
	_ =	strace s9  }
0x27: {  	s1 =	sld [smem:$0x3FAC]  }
0x28: {  	s2 =	sld [smem:$0x3FAD]  }
0x29: {  	s4 =	sld [smem:$0x3FAF]  }
0x2a: {  	p0 =	seq.s32 s5, $0x0;
	s5 =	sld [smem:$0x3FB0]  }
0x2b: {  	s6 =	sld [smem:$0x3FB1]  }
0x2c: {  	s7 =	sld [smem:$0x3FB2]  }
0x2d: {  	s3 =	simm.s32 $0x108;
	s8 =	sld [smem:$0x3FB3]  }
0x2e: {  	s3 =	simm.s32 @!p0 $0x1082;
	s9 =	sld [smem:$0x3FB4]  }
0x2f: {  	lr =	sadd.s32 s0, s3;
	s0 =	sld [smem:$0x3FAB]  }
0x30: {  	s3 =	sld [smem:$0x3FAE]  }
0x31: {  	[smem:$0x3FB7] =	sst s10  }
0x32: {  	s10 =	sld [smem:$0x3FB5];
	_ =	sdelay $0x3  }
0x33: {  	p0 =	seq.s32 s10, $0x1;
	s10 =	sld [smem:$0x3FB7];
	_ =	sdelay $0x3  }
0x34: {  	[smem:$0x3FB7] =	sst s10  }
0x35: {  	s10 =	sld [smem:$0x3FB6];
	_ =	sdelay $0x3  }
0x36: {  	p1 =	seq.s32 s10, $0x1;
	s10 =	sld [smem:$0x3FB7];
	_ =	sdelay $0x3  }
0x37: {  	[smem:$0x3FB7] =	sst s10  }
0x38: {  	s10 =	sld [smem:$0x3FB8]  }
0x39: {  	_ = 	snop;
	(pc) =	sbr.ind lr, $3  }
0x3a: {  	_ = 	snop  }
0x3b: {  	_ = 	snop  }
0x3c: {  	p2 =	seq.s32 s10, $0x1;
	s10 =	sld [smem:$0x3FB7]  }
0x3d: {  	_ =	shalt  }
0x3e: {  	_ =	shalt  }
0x3f: {  	_ =	shalt  }
0x40: {  	_ =	shalt  }
0x41: {  	_ =	shalt  }
0x42: {  	_ =	shalt  }
0x43: {  	_ =	shalt  }
0x44: {  	_ =	shalt  }
0x45: {  	_ =	shalt  }
0x46: {  	_ =	shalt  }
0x47: {  	_ =	shalt  }
0x48: {  	_ =	shalt  }
0x49: {  	_ =	shalt  }
0x4a: {  	_ =	shalt  }
0x4b: {  	_ =	shalt  }
0x4c: {  	_ =	shalt  }
0x4d: {  	_ =	shalt  }
0x4e: {  	_ =	shalt  }
0x4f: {  	_ =	shalt  }
0x50: {  	_ =	shalt  }
0x51: {  	_ =	shalt  }
0x52: {  	_ =	shalt  }
0x53: {  	_ =	shalt  }
0x54: {  	_ =	shalt  }
0x55: {  	_ =	shalt  }
0x56: {  	_ =	shalt  }
0x57: {  	_ =	shalt  }
0x58: {  	_ =	shalt  }
0x59: {  	_ =	shalt  }
0x5a: {  	_ =	shalt  }
0x5b: {  	_ =	shalt  }
0x5c: {  	_ =	shalt  }
0x5d: {  	_ =	shalt  }
0x5e: {  	_ =	shalt  }
0x5f: {  	_ =	shalt  }
0x60: {  	_ =	shalt  }
0x61: {  	_ =	shalt  }
0x62: {  	_ =	shalt  }
0x63: {  	_ =	shalt  }
0x64: {  	_ =	shalt  }
0x65: {  	_ =	shalt  }
0x66: {  	_ =	shalt  }
0x67: {  	_ =	shalt  }
0x68: {  	_ =	shalt  }
0x69: {  	_ =	shalt  }
0x6a: {  	_ =	shalt  }
0x6b: {  	_ =	shalt  }
0x6c: {  	_ =	shalt  }
0x6d: {  	_ =	shalt  }
0x6e: {  	_ =	shalt  }
0x6f: {  	_ =	shalt  }
0x70: {  	_ =	shalt  }
0x71: {  	_ =	shalt  }
0x72: {  	_ =	shalt  }
0x73: {  	_ =	shalt  }
0x74: {  	_ =	shalt  }
0x75: {  	_ =	shalt  }
0x76: {  	_ =	shalt  }
0x77: {  	_ =	shalt  }
0x78: {  	_ =	shalt  }
0x79: {  	_ =	shalt  }
0x7a: {  	_ =	shalt  }
0x7b: {  	_ =	shalt  }
0x7c: {  	_ =	shalt  }
0x7d: {  	_ =	shalt  }
0x7e: {  	_ =	shalt  }
0x7f: {  	_ =	shalt  }
0x80: {  	_ =	shalt  }
0x81: {  	_ =	shalt  }
0x82: {  	_ =	shalt  }
0x83: {  	_ =	shalt  }
0x84: {  	_ =	shalt  }
0x85: {  	_ =	shalt  }
0x86: {  	_ =	shalt  }
0x87: {  	_ =	shalt  }
.Lfunc_end0:
.L_simem_size_0:
called_computation_lowered:
.L_overlay_start_0:
0x88: {  	s2 =	sld [smem:$0x3FD9]  }
0x89: {  	s3 =	sld [smem:$0x3FFE];
	_ =	sdelay $0x1  }
0x8a: {  	s1 =	srdreg.scid  }
0x8b: {  	s0 =	sand.u32 $0x1, s1  }
0x8c: {  	s14 =	sshll.u32 s0, $0xA;
	s2 =	sadd.s32 s3, s2  }
0x8d: {  	s2 =	sadd.s32 s2, s14  }
0x8e: {  	[smem:$0x3FC3] =	sst s2  }
0x8f: {  	_ = 	snop  }
0x90: {  	s2 =	sld [smem:$0x3FD0];
	_ =	sdelay $0x1  }
0x91: {  	s15 =	sld [smem:$0x3FC9]  }
0x92: {  	s5 =	simm.s32 $0xA;
	s6 =	simm.s32 $0x10;
	s4 =	sld [smem:$0x3FC8]  }
0x93: {  	[smem:s6], [sflag:s5] =	dma.local [hbm:s2], $0x1  }
0x94: {  	_ =	swait.eq [sflag:s5], $0x1  }
0x95: {  	[sflag:s5] =	ssyncset.done $0x0  }
0x96: {  	s16 =	sld [smem:$0x10];
	[sflag:s5] =	ssyncadd.s32 $0xFFFFFFFF  }
0x97: {  	s17 =	sld [smem:$0x11];
	(tm) =	ssettm $0x1  }
0x98: {  	s18 =	sld [smem:$0x3FFB];
	_ =	sdelay $0x3  }
0x99: {  	_ =	strace s18  }
0x9a: {  	s6 =	sld [smem:$0x3FFC];
	_ =	sdelay $0x3  }
0x9b: {  	_ =	strace s6  }
0x9c: {  	s6 =	sld [smem:$0x3FFD];
	_ =	sdelay $0x3  }
0x9d: {  	_ =	strace s6  }
0x9e: {  	_ =	strace $0x8FFFFFFF  }
0x9f: {  	s19 =	sld [smem:$0x3FDB];
	_ =	sdelay $0x1  }
0xa0: {  	s7 =	simm.s32 $_scs_section_size  }
0xa1: {  	s8 =	simm.s32 $_size__tile_overlayer_lowered;
	s9 =	simm.s32 $_tile_overlayer_lowered  }
0xa2: {  	s22 =	simm.s32 $0x1BFF;
	s21 =	sshll.u32 s9, $0x1;
	s6 =	sadd.s32 s7, s19  }
0xa3: {  	s10 =	simm.s32 $0x0;
	s20 =	sshll.u32 s8, $0x1;
	s8 =	sadd.s32 s21, s6  }
0xa4: {  	[timem:s10], [sflag:s22] =	dma.local [hbm:s8], s20  }
0xa5: {  	_ =	swait.ge [sflag:s22], s20  }
0xa6: {  	s7 =	ssub.s32 $0x0, s20;
	[sflag:s22] =	ssyncset.done $0x0  }
0xa7: {  	[sflag:s22] =	ssyncadd.s32 s7;
	_ =	sdelay $0x1  }
0xa8: {  	s23 =	simm.s32 $0x1B8B  }
0xa9: {  	_ =	swait.ge [sflag:s23], $0x1  }
0xaa: {  	[sflag:s23] =	ssyncset.done $0x0  }
0xab: {  	s25 =	simm.s32 $0x1B8E;
	s24 =	sld [smem:$0x3FFE];
	[sflag:s23] =	ssyncadd.s32 $0xFFFFFFFF  }
0xac: {  	s26 =	simm.s32 $execute0_lowered;
	[smem:$0x3FD2] =	sst s25  }
0xad: {  	s8 =	sshll.u32 s26, $0x1;
	_ =	strace $0x80000046;
	[dreg:$0x1] =	wrdreg $0xFFFFFFFF  }
0xae: {  	s28 =	simm.s32 $_size_execute0_lowered;
	s6 =	sadd.s32 s6, s8;
	[dreg:$0x0] =	wrdreg $0x0  }
0xaf: {  	s8 =	sshll.u32 s28, $0x1;
	[dreg:$0x2] =	wrdreg s6  }
0xb0: {  	[dreg:$0x3] =	wrdreg s8  }
0xb1: {  	[dreg:$0x4] =	wrdreg $0xC0  }
0xb2: {  	_ =	task [dreg:s10], $0x5FFFF  }
0xb3: {  	[dreg:$0x1] =	wrdreg $0xFFFFFFFF  }
0xb4: {  	[dreg:$0x0] =	wrdreg $0x60  }
0xb5: {  	[dreg:$0x2] =	wrdreg s15  }
0xb6: {  	[dreg:$0x3] =	wrdreg s4  }
0xb7: {  	[dreg:$0x4] =	wrdreg s24  }
0xb8: {  	[dreg:$0x5] =	wrdreg s16  }
0xb9: {  	[dreg:$0x6] =	wrdreg s17  }
0xba: {  	[dreg:$0x7] =	wrdreg $0x9  }
0xbb: {  	_ =	task.clear_ibuf [dreg:s10], $0x8FFFF;
	_ =	strace $0x90000046  }
0xbc: {  	s29 =	simm.s32 $0x9;
	_ =	strace $0x80000048  }
0xbd: {  	_ =	swait.ge [sflag:s29], $0x1  }
0xbe: {  	[sflag:s29] =	ssyncadd.s32 $0xFFFFFFFF  }
0xbf: {  	_ =	strace $0x90000048  }
0xc0: {  	_ =	sfence  }
0xc1: {  	s30 =	sld [smem:$0x0];
	_ =	sdelay $0x2  }
0xc2: {  	s31 =	sshll.u32 s1, $0xD;
	s1 =	sshrl.u32 s1, $0x2  }
0xc3: {  	s3 =	sand.u32 $0x4000, s31;
	s1 =	sadd.s32 s1, s30  }
0xc4: {  	s0 =	sor.u32 s3, s0;
	s1 =	sshll.u32 s1, $0x11  }
0xc5: {  	s0 =	sor.u32 s1, s0  }
0xc6: {  	s0 =	sadd.s32 $0x8F2B, s0  }
0xc7: {  	[sflag:s0] =	ssyncadd.remote.s32 $0x1  }
0xc8: {  	_ =	sfence.sel $0xFFFF  }
0xc9: {  	[dreg:$0x0] =	wrdreg $0xFFFFFFFF;
	(pc) =	sbr.abs _section_cstart, $3  }
0xca: {  	[dreg:$0x1] =	wrdreg $0xFFFFFFFF  }
0xcb: {  	_ =	task.clear_ibuf [dreg:s10], $0x2FFFF;
	_ =	strace $0x9FFFFFFF  }
0xcc: {  	(tm) =	ssettm $0x7FFFFFFF  }
0xcd: {  	_ =	shalt  }
tec
execute0_lowered:
.L_overlay_start_1:
0x0: {  	(tag) =	ssettag $0x1  }
0x1: {  	s1 =	rddreg [dreg:$0x0]  }
0x2: {  	s2 =	rddreg [dreg:$0x1]  }
0x3: {  	s3 =	rddreg [dreg:$0x2]  }
0x4: {  	s0 =	srdreg.scid;
	s8 =	rddreg [dreg:$0x3]  }
0x5: {  	s4 =	stileid.u32;
	s9 =	rddreg [dreg:$0x4]  }
0x6: {  	s28 =	simm.s32 $0x3;
	s29 =	simm.s32 $0x5;
	s0 =	sand.u32 $0x1, s0  }
0x7: {  	s31 =	simm.s32 $0x7;
	s4 =	sshll.u32 s4, $0x8;
	s5 =	sshll.u32 s0, $0x7  }
0x8: {  	s30 =	simm.s32 $0x8080;
	s0 =	ssub.s32 $0x2, s0;
	s5 =	sor.u32 s5, s4  }
0x9: {  	s4 =	simm.s32 $0x0;
	s6 =	sshrl.u32 s5, $0x3;
	s7 =	sshll.u32 s5, $0x7  }
0xa: {  	[smem:$0x7FF] =	sst s4;
	s3 =	sadd.s32 s6, s3;
	s24 =	sadd.s32 s8, s7  }
0xb: {  	_ =	strace $0x80000047;
	s25 =	sadd.s32 s9, s7;
	[dreg:$0x7] =	wrdreg s24  }
0xc: {  	s5 =	sor.u32 $0x800, s7;
	s3 =	sadd.s32 $0x1200, s3;
	[dreg:$0x8] =	wrdreg s25  }
0xd: {  	s13 =	sshrl.u32 s0, $0x1;
	s26 =	sadd.s32 s8, s5;
	[dreg:$0x6] =	wrdreg s3  }
0xe: {  	s6 =	sor.u32 $0x1000, s7;
	s5 =	sadd.s32 s9, s5;
	[dreg:$0x9] =	wrdreg s26  }
0xf: {  	s0 =	ssub.s32 s0, s13;
	s10 =	sadd.s32 s8, s6;
	[dreg:$0xa] =	wrdreg s5  }
0x10: {  	s12 =	sor.u32 $0x1800, s7;
	s11 =	sadd.s32 s9, s6;
	[dreg:$0xb] =	wrdreg s10  }
0x11: {  	s16 =	sor.u32 $0x2000, s7;
	s14 =	sadd.s32 s8, s12;
	[dreg:$0xc] =	wrdreg s11  }
0x12: {  	s19 =	sor.u32 $0x2800, s7;
	s15 =	sadd.s32 s9, s12;
	[dreg:$0xd] =	wrdreg s14  }
0x13: {  	s17 =	sadd.s32 s8, s16;
	s18 =	sadd.s32 s9, s16;
	[dreg:$0xe] =	wrdreg s15  }
0x14: {  	s20 =	sadd.s32 s8, s19;
	s21 =	sadd.s32 s9, s19;
	[dreg:$0xf] =	wrdreg s17  }
0x15: {  	s6 =	sadd.s32 $0x200, s1;
	s24 =	sor.u32 $0x3800, s7;
	[dreg:$0x10] =	wrdreg s18  }
0x16: {  	s12 =	simm.s32 $0x6;
	s5 =	sadd.s32 $0x100, s1;
	[dreg:$0x11] =	wrdreg s20  }
0x17: {  	s10 =	sor.u32 $0x3000, s7;
	[dreg:$0x12] =	wrdreg s21;
	s7 =	sadd.s32 $0x300, s1  }
0x18: {  	s25 =	sadd.s32 s8, s24;
	s26 =	sadd.s32 s9, s24;
	s11 =	smax.u32 s0, $0x1  }
0x19: {  	s3 =	simm.s32 $0x2;
	s0 =	simm.s32 $0x4;
	s14 =	simm.s32 $0x8  }
0x1a: {  	s21 =	simm.s32 $0x80;
	s17 =	simm.s32 $0x4080;
	[dreg:$0x15] =	wrdreg s25  }
0x1b: {  	v2 =	vlaneseq.u32;
	s22 =	sadd.s32 s8, s10;
	s23 =	sadd.s32 s9, s10;
	[dreg:$0x16] =	wrdreg s26  }
0x1c: {  	vm0 =	vmmov $0xffff;
	v1 =	vshrl.u32 v2, $0x3;
	s8 =	sadd.s32 $0x100, s2;
	s9 =	sadd.s32 $0x200, s2;
	[dreg:$0x13] =	wrdreg s22  }
0x1d: {  	v0 =	vand.u32 $0x7, v2;
	v2 =	vor.u32 $0x8, v2;
	v1 =	vmul.u32 $0x8, v1;
	s10 =	sadd.s32 $0x300, s2;
	s26 =	simm.s32 $0x1;
	[dreg:$0x14] =	wrdreg s23  }
.LBB2_1:
0x1e: {  	s15 =	rddreg [dreg:$0x6];
	s23 =	simm.s32 $0x9  }
0x1f: {  	[tilespmem:s4], [sflag:$0x9] =	stream.linear.gather [hbm4b:s15+s4], $0x80, $0x38;
	[tilespmem:$0x10080] =	vst v63  }
0x20: {  	_ =	swait.ge [sflag:s23], $0x80  }
0x21: {  	[sflag:s23] =	ssyncset.done $0x0  }
0x22: {  	[sflag:s23] =	ssyncadd.s32 $0xFFFFFF80  }
0x23: {  	v3 =	vld [tilespmem:$0x0];
	_ =	sdelay $0x4  }
0x24: {  	v4 =	vshll.u32 v3, $0x3  }
0x25: {  	v3 =	vand.u32 $0x7, v3;
	v4 =	vand.u32 $0xFFFFFFC0, v4  }
0x26: {  	v3 =	vor.u32 v3, v4  }
0x27: {  	v4 =	vperm.xlane v3, v0;
	_ =	sdelay $0x1  }
0x28: {  	v4 =	vadd.s32 v1, v4;
	_ =	sdelay $0x4  }
0x29: {  	[tilespmem:s21], [sflag:$0x1] =	stream.indirect_vreg.gather [hbm4b:s1+s4], $0x80, v4, vm0, $0xb8;
	[tilespmem:$0x10080] =	vst v63  }
0x2a: {  	s13 =	simm.s32 $0x880;
	v3 =	vperm.xlane v3, v2  }
0x2b: {  	[tilespmem:s13], [sflag:$0x1] =	stream.indirect_vreg.gather [hbm4b:s5+s4], $0x80, v4, vm0, $0xb8;
	[tilespmem:$0x10080] =	vst v63  }
0x2c: {  	s24 =	simm.s32 $0x1080;
	v3 =	vadd.s32 v1, v3  }
0x2d: {  	[tilespmem:s24], [sflag:$0x1] =	stream.indirect_vreg.gather [hbm4b:s6+s4], $0x80, v4, vm0, $0xb8;
	[tilespmem:$0x10080] =	vst v63  }
0x2e: {  	s25 =	simm.s32 $0x1880  }
0x2f: {  	[tilespmem:s25], [sflag:$0x1] =	stream.indirect_vreg.gather [hbm4b:s7+s4], $0x80, v4, vm0, $0xb8;
	[tilespmem:$0x10080] =	vst v63  }
0x30: {  	s15 =	simm.s32 $0x2080  }
0x31: {  	[tilespmem:s15], [sflag:$0x1] =	stream.indirect_vreg.gather [hbm4b:s1+s4], $0x80, v3, vm0, $0xb8;
	[tilespmem:$0x10080] =	vst v63  }
0x32: {  	s18 =	simm.s32 $0x2880  }
0x33: {  	[tilespmem:s18], [sflag:$0x1] =	stream.indirect_vreg.gather [hbm4b:s5+s4], $0x80, v3, vm0, $0xb8;
	[tilespmem:$0x10080] =	vst v63  }
0x34: {  	s19 =	simm.s32 $0x3080  }
0x35: {  	[tilespmem:s19], [sflag:$0x1] =	stream.indirect_vreg.gather [hbm4b:s6+s4], $0x80, v3, vm0, $0xb8;
	[tilespmem:$0x10080] =	vst v63  }
0x36: {  	s20 =	simm.s32 $0x3880  }
0x37: {  	[tilespmem:s20], [sflag:$0x1] =	stream.indirect_vreg.gather [hbm4b:s7+s4], $0x80, v3, vm0, $0xb8;
	[tilespmem:$0x10080] =	vst v63  }
0x38: {  	v3 =	vld [tilespmem:$0x0];
	_ =	sdelay $0x4  }
0x39: {  	v49 =	vshll.u32 v3, $0x3  }
0x3a: {  	v3 =	vand.u32 $0x7, v3;
	v4 =	vand.u32 $0xFFFFFFC0, v49  }
0x3b: {  	v3 =	vor.u32 v3, v4  }
0x3c: {  	v4 =	vperm.xlane v3, v0;
	_ =	sdelay $0x1  }
0x3d: {  	v4 =	vadd.s32 v1, v4;
	_ =	sdelay $0x4  }
0x3e: {  	[tilespmem:s30], [sflag:$0x3] =	stream.indirect_vreg.gather [hbm4b:s2+s4], $0x80, v4, vm0, $0xb8;
	[tilespmem:$0x10080] =	vst v63  }
0x3f: {  	s22 =	simm.s32 $0x8880;
	v3 =	vperm.xlane v3, v2  }
0x40: {  	[tilespmem:s22], [sflag:$0x3] =	stream.indirect_vreg.gather [hbm4b:s8+s4], $0x80, v4, vm0, $0xb8;
	[tilespmem:$0x10080] =	vst v63  }
0x41: {  	s23 =	simm.s32 $0x9080;
	v3 =	vadd.s32 v1, v3  }
0x42: {  	[tilespmem:s23], [sflag:$0x3] =	stream.indirect_vreg.gather [hbm4b:s9+s4], $0x80, v4, vm0, $0xb8;
	[tilespmem:$0x10080] =	vst v63  }
0x43: {  	s24 =	simm.s32 $0x9880  }
0x44: {  	[tilespmem:s24], [sflag:$0x3] =	stream.indirect_vreg.gather [hbm4b:s10+s4], $0x80, v4, vm0, $0xb8;
	[tilespmem:$0x10080] =	vst v63  }
0x45: {  	s25 =	simm.s32 $0xA080  }
0x46: {  	[tilespmem:s25], [sflag:$0x3] =	stream.indirect_vreg.gather [hbm4b:s2+s4], $0x80, v3, vm0, $0xb8;
	[tilespmem:$0x10080] =	vst v63  }
0x47: {  	s13 =	simm.s32 $0xA880  }
0x48: {  	[tilespmem:s13], [sflag:$0x3] =	stream.indirect_vreg.gather [hbm4b:s8+s4], $0x80, v3, vm0, $0xb8;
	[tilespmem:$0x10080] =	vst v63  }
0x49: {  	s18 =	simm.s32 $0xB080  }
0x4a: {  	[tilespmem:s18], [sflag:$0x3] =	stream.indirect_vreg.gather [hbm4b:s9+s4], $0x80, v3, vm0, $0xb8;
	[tilespmem:$0x10080] =	vst v63  }
0x4b: {  	s19 =	simm.s32 $0xB880  }
0x4c: {  	[tilespmem:s19], [sflag:$0x3] =	stream.indirect_vreg.gather [hbm4b:s10+s4], $0x80, v3, vm0, $0xb8;
	[tilespmem:$0x10080] =	vst v63  }
0x4d: {  	v3 =	vld [tilespmem:$0x10];
	_ =	sdelay $0x4  }
0x4e: {  	v50 =	vshll.u32 v3, $0x3  }
0x4f: {  	v3 =	vand.u32 $0x7, v3;
	v4 =	vand.u32 $0xFFFFFFC0, v50  }
0x50: {  	v3 =	vor.u32 v3, v4  }
0x51: {  	v4 =	vperm.xlane v3, v0;
	_ =	sdelay $0x1  }
0x52: {  	v4 =	vadd.s32 v1, v4;
	_ =	sdelay $0x4  }
0x53: {  	[tilespmem:s17], [sflag:$0x2] =	stream.indirect_vreg.gather [hbm4b:s1+s4], $0x80, v4, vm0, $0xb8;
	[tilespmem:$0x10080] =	vst v63  }
0x54: {  	s22 =	simm.s32 $0x4880;
	v3 =	vperm.xlane v3, v2  }
0x55: {  	[tilespmem:s22], [sflag:$0x2] =	stream.indirect_vreg.gather [hbm4b:s5+s4], $0x80, v4, vm0, $0xb8;
	[tilespmem:$0x10080] =	vst v63  }
0x56: {  	s23 =	simm.s32 $0x5080;
	v3 =	vadd.s32 v1, v3  }
0x57: {  	[tilespmem:s23], [sflag:$0x2] =	stream.indirect_vreg.gather [hbm4b:s6+s4], $0x80, v4, vm0, $0xb8;
	[tilespmem:$0x10080] =	vst v63  }
0x58: {  	s24 =	simm.s32 $0x5880  }
0x59: {  	[tilespmem:s24], [sflag:$0x2] =	stream.indirect_vreg.gather [hbm4b:s7+s4], $0x80, v4, vm0, $0xb8;
	[tilespmem:$0x10080] =	vst v63  }
0x5a: {  	s25 =	simm.s32 $0x6080  }
0x5b: {  	[tilespmem:s25], [sflag:$0x2] =	stream.indirect_vreg.gather [hbm4b:s1+s4], $0x80, v3, vm0, $0xb8;
	[tilespmem:$0x10080] =	vst v63  }
0x5c: {  	s13 =	simm.s32 $0x6880  }
0x5d: {  	[tilespmem:s13], [sflag:$0x2] =	stream.indirect_vreg.gather [hbm4b:s5+s4], $0x80, v3, vm0, $0xb8;
	[tilespmem:$0x10080] =	vst v63  }
0x5e: {  	s18 =	simm.s32 $0x7080  }
0x5f: {  	[tilespmem:s18], [sflag:$0x2] =	stream.indirect_vreg.gather [hbm4b:s6+s4], $0x80, v3, vm0, $0xb8;
	[tilespmem:$0x10080] =	vst v63  }
0x60: {  	s22 =	simm.s32 $0x7880  }
0x61: {  	[tilespmem:s22], [sflag:$0x2] =	stream.indirect_vreg.gather [hbm4b:s7+s4], $0x80, v3, vm0, $0xb8;
	[tilespmem:$0x10080] =	vst v63  }
0x62: {  	v3 =	vld [tilespmem:$0x10];
	_ =	sdelay $0x4  }
0x63: {  	v51 =	vshll.u32 v3, $0x3  }
0x64: {  	v3 =	vand.u32 $0x7, v3;
	v4 =	vand.u32 $0xFFFFFFC0, v51  }
0x65: {  	v3 =	vor.u32 v3, v4  }
0x66: {  	v4 =	vperm.xlane v3, v0;
	_ =	sdelay $0x1  }
0x67: {  	v4 =	vadd.s32 v1, v4;
	_ =	sdelay $0x3  }
0x68: {  	s13 =	simm.s32 $0xC080  }
0x69: {  	[tilespmem:s13], [sflag:$0x4] =	stream.indirect_vreg.gather [hbm4b:s2+s4], $0x80, v4, vm0, $0xb8;
	[tilespmem:$0x10080] =	vst v63  }
0x6a: {  	s23 =	simm.s32 $0xC880;
	v3 =	vperm.xlane v3, v2  }
0x6b: {  	[tilespmem:s23], [sflag:$0x4] =	stream.indirect_vreg.gather [hbm4b:s8+s4], $0x80, v4, vm0, $0xb8;
	[tilespmem:$0x10080] =	vst v63  }
0x6c: {  	s24 =	simm.s32 $0xD080;
	v3 =	vadd.s32 v1, v3  }
0x6d: {  	[tilespmem:s24], [sflag:$0x4] =	stream.indirect_vreg.gather [hbm4b:s9+s4], $0x80, v4, vm0, $0xb8;
	[tilespmem:$0x10080] =	vst v63  }
0x6e: {  	s25 =	simm.s32 $0xD880  }
0x6f: {  	[tilespmem:s25], [sflag:$0x4] =	stream.indirect_vreg.gather [hbm4b:s10+s4], $0x80, v4, vm0, $0xb8;
	[tilespmem:$0x10080] =	vst v63  }
0x70: {  	s18 =	simm.s32 $0xE080  }
0x71: {  	[tilespmem:s18], [sflag:$0x4] =	stream.indirect_vreg.gather [hbm4b:s2+s4], $0x80, v3, vm0, $0xb8;
	[tilespmem:$0x10080] =	vst v63  }
0x72: {  	s22 =	simm.s32 $0xE880  }
0x73: {  	[tilespmem:s22], [sflag:$0x4] =	stream.indirect_vreg.gather [hbm4b:s8+s4], $0x80, v3, vm0, $0xb8;
	[tilespmem:$0x10080] =	vst v63  }
0x74: {  	s23 =	simm.s32 $0xF080  }
0x75: {  	[tilespmem:s23], [sflag:$0x4] =	stream.indirect_vreg.gather [hbm4b:s9+s4], $0x80, v3, vm0, $0xb8;
	[tilespmem:$0x10080] =	vst v63  }
0x76: {  	s24 =	simm.s32 $0xF880  }
0x77: {  	[tilespmem:s24], [sflag:$0x4] =	stream.indirect_vreg.gather [hbm4b:s10+s4], $0x80, v3, vm0, $0xb8;
	[tilespmem:$0x10080] =	vst v63  }
0x78: {  	_ =	swait.ge [sflag:s26], $0x4000  }
0x79: {  	[sflag:s26] =	ssyncset.done $0x0  }
0x7a: {  	s25 =	rddreg [dreg:$0x7];
	[sflag:s26] =	ssyncadd.s32 $0xFFFFC000  }
0x7b: {  	[hbm4b:s25+s4] =	stream.linear.scatter [tilespmem:s21], [sflag:$0x5], $0x4000, $0x38;
	[tilespmem:$0x10080] =	vst v63  }
0x7c: {  	_ =	swait.ge [sflag:s28], $0x4000  }
0x7d: {  	[sflag:s28] =	ssyncset.done $0x0  }
0x7e: {  	s18 =	rddreg [dreg:$0x8];
	[sflag:s28] =	ssyncadd.s32 $0xFFFFC000  }
0x7f: {  	[hbm4b:s18+s4] =	stream.linear.scatter [tilespmem:s30], [sflag:$0x7], $0x4000, $0x38;
	[tilespmem:$0x10080] =	vst v63  }
0x80: {  	_ =	swait.ge [sflag:s29], $0x4000  }
0x81: {  	[sflag:s29] =	ssyncset.done $0x0  }
0x82: {  	[sflag:s29] =	ssyncadd.s32 $0xFFFFC000  }
0x83: {  	_ =	swait.ge [sflag:s31], $0x4000  }
0x84: {  	[sflag:s31] =	ssyncset.done $0x0  }
0x85: {  	[sflag:s31] =	ssyncadd.s32 $0xFFFFC000  }
0x86: {  	v3 =	vld [tilespmem:$0x20];
	_ =	sdelay $0x4  }
0x87: {  	v52 =	vshll.u32 v3, $0x3  }
0x88: {  	v3 =	vand.u32 $0x7, v3;
	v4 =	vand.u32 $0xFFFFFFC0, v52  }
0x89: {  	v3 =	vor.u32 v3, v4  }
0x8a: {  	v4 =	vperm.xlane v3, v0;
	_ =	sdelay $0x1  }
0x8b: {  	v4 =	vadd.s32 v1, v4;
	_ =	sdelay $0x4  }
0x8c: {  	[tilespmem:s21], [sflag:$0x1] =	stream.indirect_vreg.gather [hbm4b:s1+s4], $0x80, v4, vm0, $0xb8;
	[tilespmem:$0x10080] =	vst v63  }
0x8d: {  	s16 =	simm.s32 $0x880;
	v3 =	vperm.xlane v3, v2  }
0x8e: {  	[tilespmem:s16], [sflag:$0x1] =	stream.indirect_vreg.gather [hbm4b:s5+s4], $0x80, v4, vm0, $0xb8;
	[tilespmem:$0x10080] =	vst v63  }
0x8f: {  	s22 =	simm.s32 $0x1080;
	v3 =	vadd.s32 v1, v3  }
0x90: {  	[tilespmem:s22], [sflag:$0x1] =	stream.indirect_vreg.gather [hbm4b:s6+s4], $0x80, v4, vm0, $0xb8;
	[tilespmem:$0x10080] =	vst v63  }
0x91: {  	s23 =	simm.s32 $0x1880  }
0x92: {  	[tilespmem:s23], [sflag:$0x1] =	stream.indirect_vreg.gather [hbm4b:s7+s4], $0x80, v4, vm0, $0xb8;
	[tilespmem:$0x10080] =	vst v63  }
0x93: {  	s24 =	simm.s32 $0x2080  }
0x94: {  	[tilespmem:s24], [sflag:$0x1] =	stream.indirect_vreg.gather [hbm4b:s1+s4], $0x80, v3, vm0, $0xb8;
	[tilespmem:$0x10080] =	vst v63  }
0x95: {  	s25 =	simm.s32 $0x2880  }
0x96: {  	[tilespmem:s25], [sflag:$0x1] =	stream.indirect_vreg.gather [hbm4b:s5+s4], $0x80, v3, vm0, $0xb8;
	[tilespmem:$0x10080] =	vst v63  }
0x97: {  	s16 =	simm.s32 $0x3080  }
0x98: {  	[tilespmem:s16], [sflag:$0x1] =	stream.indirect_vreg.gather [hbm4b:s6+s4], $0x80, v3, vm0, $0xb8;
	[tilespmem:$0x10080] =	vst v63  }
0x99: {  	s18 =	simm.s32 $0x3880  }
0x9a: {  	[tilespmem:s18], [sflag:$0x1] =	stream.indirect_vreg.gather [hbm4b:s7+s4], $0x80, v3, vm0, $0xb8;
	[tilespmem:$0x10080] =	vst v63  }
0x9b: {  	v3 =	vld [tilespmem:$0x20];
	_ =	sdelay $0x4  }
0x9c: {  	v53 =	vshll.u32 v3, $0x3  }
0x9d: {  	v3 =	vand.u32 $0x7, v3;
	v4 =	vand.u32 $0xFFFFFFC0, v53  }
0x9e: {  	v3 =	vor.u32 v3, v4  }
0x9f: {  	v4 =	vperm.xlane v3, v0;
	_ =	sdelay $0x1  }
0xa0: {  	v4 =	vadd.s32 v1, v4;
	_ =	sdelay $0x4  }
0xa1: {  	[tilespmem:s30], [sflag:$0x3] =	stream.indirect_vreg.gather [hbm4b:s2+s4], $0x80, v4, vm0, $0xb8;
	[tilespmem:$0x10080] =	vst v63  }
0xa2: {  	s20 =	simm.s32 $0x8880;
	v3 =	vperm.xlane v3, v2  }
0xa3: {  	[tilespmem:s20], [sflag:$0x3] =	stream.indirect_vreg.gather [hbm4b:s8+s4], $0x80, v4, vm0, $0xb8;
	[tilespmem:$0x10080] =	vst v63  }
0xa4: {  	v3 =	vadd.s32 v1, v3;
	s20 =	simm.s32 $0x9080  }
0xa5: {  	[tilespmem:s20], [sflag:$0x3] =	stream.indirect_vreg.gather [hbm4b:s9+s4], $0x80, v4, vm0, $0xb8;
	[tilespmem:$0x10080] =	vst v63  }
0xa6: {  	s20 =	simm.s32 $0x9880  }
0xa7: {  	[tilespmem:s20], [sflag:$0x3] =	stream.indirect_vreg.gather [hbm4b:s10+s4], $0x80, v4, vm0, $0xb8;
	[tilespmem:$0x10080] =	vst v63  }
0xa8: {  	s20 =	simm.s32 $0xA080  }
0xa9: {  	[tilespmem:s20], [sflag:$0x3] =	stream.indirect_vreg.gather [hbm4b:s2+s4], $0x80, v3, vm0, $0xb8;
	[tilespmem:$0x10080] =	vst v63  }
0xaa: {  	s20 =	simm.s32 $0xA880  }
0xab: {  	[tilespmem:s20], [sflag:$0x3] =	stream.indirect_vreg.gather [hbm4b:s8+s4], $0x80, v3, vm0, $0xb8;
	[tilespmem:$0x10080] =	vst v63  }
0xac: {  	s20 =	simm.s32 $0xB080  }
0xad: {  	[tilespmem:s20], [sflag:$0x3] =	stream.indirect_vreg.gather [hbm4b:s9+s4], $0x80, v3, vm0, $0xb8;
	[tilespmem:$0x10080] =	vst v63  }
0xae: {  	s19 =	simm.s32 $0xB880  }
0xaf: {  	[tilespmem:s19], [sflag:$0x3] =	stream.indirect_vreg.gather [hbm4b:s10+s4], $0x80, v3, vm0, $0xb8;
	[tilespmem:$0x10080] =	vst v63  }
0xb0: {  	_ =	swait.ge [sflag:s3], $0x4000  }
0xb1: {  	[sflag:s3] =	ssyncset.done $0x0  }
0xb2: {  	s19 =	rddreg [dreg:$0x9];
	[sflag:s3] =	ssyncadd.s32 $0xFFFFC000  }
0xb3: {  	[hbm4b:s19+s4] =	stream.linear.scatter [tilespmem:s17], [sflag:$0x6], $0x4000, $0x38;
	[tilespmem:$0x10080] =	vst v63  }
0xb4: {  	_ =	swait.ge [sflag:s0], $0x4000  }
0xb5: {  	[sflag:s0] =	ssyncset.done $0x0  }
0xb6: {  	s20 =	rddreg [dreg:$0xa];
	[sflag:s0] =	ssyncadd.s32 $0xFFFFC000  }
0xb7: {  	[hbm4b:s20+s4] =	stream.linear.scatter [tilespmem:s13], [sflag:$0x8], $0x4000, $0x38;
	[tilespmem:$0x10080] =	vst v63  }
0xb8: {  	_ =	swait.ge [sflag:s12], $0x4000  }
0xb9: {  	[sflag:s12] =	ssyncset.done $0x0  }
0xba: {  	[sflag:s12] =	ssyncadd.s32 $0xFFFFC000  }
0xbb: {  	_ =	swait.ge [sflag:s14], $0x4000  }
0xbc: {  	[sflag:s14] =	ssyncset.done $0x0  }
0xbd: {  	[sflag:s14] =	ssyncadd.s32 $0xFFFFC000  }
0xbe: {  	v3 =	vld [tilespmem:$0x30];
	_ =	sdelay $0x4  }
0xbf: {  	v54 =	vshll.u32 v3, $0x3  }
0xc0: {  	v3 =	vand.u32 $0x7, v3;
	v4 =	vand.u32 $0xFFFFFFC0, v54  }
0xc1: {  	v3 =	vor.u32 v3, v4  }
0xc2: {  	v4 =	vperm.xlane v3, v0;
	_ =	sdelay $0x1  }
0xc3: {  	v4 =	vadd.s32 v1, v4;
	_ =	sdelay $0x4  }
0xc4: {  	[tilespmem:s17], [sflag:$0x2] =	stream.indirect_vreg.gather [hbm4b:s1+s4], $0x80, v4, vm0, $0xb8;
	[tilespmem:$0x10080] =	vst v63  }
0xc5: {  	s19 =	simm.s32 $0x4880;
	v3 =	vperm.xlane v3, v2  }
0xc6: {  	[tilespmem:s19], [sflag:$0x2] =	stream.indirect_vreg.gather [hbm4b:s5+s4], $0x80, v4, vm0, $0xb8;
	[tilespmem:$0x10080] =	vst v63  }
0xc7: {  	s20 =	simm.s32 $0x5080;
	v3 =	vadd.s32 v1, v3  }
0xc8: {  	[tilespmem:s20], [sflag:$0x2] =	stream.indirect_vreg.gather [hbm4b:s6+s4], $0x80, v4, vm0, $0xb8;
	[tilespmem:$0x10080] =	vst v63  }
0xc9: {  	s19 =	simm.s32 $0x5880  }
0xca: {  	[tilespmem:s19], [sflag:$0x2] =	stream.indirect_vreg.gather [hbm4b:s7+s4], $0x80, v4, vm0, $0xb8;
	[tilespmem:$0x10080] =	vst v63  }
0xcb: {  	s20 =	simm.s32 $0x6080  }
0xcc: {  	[tilespmem:s20], [sflag:$0x2] =	stream.indirect_vreg.gather [hbm4b:s1+s4], $0x80, v3, vm0, $0xb8;
	[tilespmem:$0x10080] =	vst v63  }
0xcd: {  	s20 =	simm.s32 $0x6880  }
0xce: {  	[tilespmem:s20], [sflag:$0x2] =	stream.indirect_vreg.gather [hbm4b:s5+s4], $0x80, v3, vm0, $0xb8;
	[tilespmem:$0x10080] =	vst v63  }
0xcf: {  	s20 =	simm.s32 $0x7080  }
0xd0: {  	[tilespmem:s20], [sflag:$0x2] =	stream.indirect_vreg.gather [hbm4b:s6+s4], $0x80, v3, vm0, $0xb8;
	[tilespmem:$0x10080] =	vst v63  }
0xd1: {  	s20 =	simm.s32 $0x7880  }
0xd2: {  	[tilespmem:s20], [sflag:$0x2] =	stream.indirect_vreg.gather [hbm4b:s7+s4], $0x80, v3, vm0, $0xb8;
	[tilespmem:$0x10080] =	vst v63  }
0xd3: {  	v3 =	vld [tilespmem:$0x30];
	_ =	sdelay $0x4  }
0xd4: {  	v55 =	vshll.u32 v3, $0x3  }
0xd5: {  	v3 =	vand.u32 $0x7, v3;
	v4 =	vand.u32 $0xFFFFFFC0, v55  }
0xd6: {  	v3 =	vor.u32 v3, v4  }
0xd7: {  	v4 =	vperm.xlane v3, v0;
	_ =	sdelay $0x1  }
0xd8: {  	v4 =	vadd.s32 v1, v4;
	_ =	sdelay $0x4  }
0xd9: {  	[tilespmem:s13], [sflag:$0x4] =	stream.indirect_vreg.gather [hbm4b:s2+s4], $0x80, v4, vm0, $0xb8;
	[tilespmem:$0x10080] =	vst v63  }
0xda: {  	s20 =	simm.s32 $0xC880;
	v3 =	vperm.xlane v3, v2  }
0xdb: {  	[tilespmem:s20], [sflag:$0x4] =	stream.indirect_vreg.gather [hbm4b:s8+s4], $0x80, v4, vm0, $0xb8;
	[tilespmem:$0x10080] =	vst v63  }
0xdc: {  	v3 =	vadd.s32 v1, v3;
	s20 =	simm.s32 $0xD080  }
0xdd: {  	[tilespmem:s20], [sflag:$0x4] =	stream.indirect_vreg.gather [hbm4b:s9+s4], $0x80, v4, vm0, $0xb8;
	[tilespmem:$0x10080] =	vst v63  }
0xde: {  	s20 =	simm.s32 $0xD880  }
0xdf: {  	[tilespmem:s20], [sflag:$0x4] =	stream.indirect_vreg.gather [hbm4b:s10+s4], $0x80, v4, vm0, $0xb8;
	[tilespmem:$0x10080] =	vst v63  }
0xe0: {  	s20 =	simm.s32 $0xE080  }
0xe1: {  	[tilespmem:s20], [sflag:$0x4] =	stream.indirect_vreg.gather [hbm4b:s2+s4], $0x80, v3, vm0, $0xb8;
	[tilespmem:$0x10080] =	vst v63  }
0xe2: {  	s20 =	simm.s32 $0xE880  }
0xe3: {  	[tilespmem:s20], [sflag:$0x4] =	stream.indirect_vreg.gather [hbm4b:s8+s4], $0x80, v3, vm0, $0xb8;
	[tilespmem:$0x10080] =	vst v63  }
0xe4: {  	s20 =	simm.s32 $0xF080  }
0xe5: {  	[tilespmem:s20], [sflag:$0x4] =	stream.indirect_vreg.gather [hbm4b:s9+s4], $0x80, v3, vm0, $0xb8;
	[tilespmem:$0x10080] =	vst v63  }
0xe6: {  	s20 =	simm.s32 $0xF880  }
0xe7: {  	[tilespmem:s20], [sflag:$0x4] =	stream.indirect_vreg.gather [hbm4b:s10+s4], $0x80, v3, vm0, $0xb8;
	[tilespmem:$0x10080] =	vst v63  }
0xe8: {  	_ =	swait.ge [sflag:s26], $0x4000  }
0xe9: {  	[sflag:s26] =	ssyncset.done $0x0  }
0xea: {  	s20 =	rddreg [dreg:$0xb];
	[sflag:s26] =	ssyncadd.s32 $0xFFFFC000  }
0xeb: {  	[hbm4b:s20+s4] =	stream.linear.scatter [tilespmem:s21], [sflag:$0x5], $0x4000, $0x38;
	[tilespmem:$0x10080] =	vst v63  }
0xec: {  	_ =	swait.ge [sflag:s28], $0x4000  }
0xed: {  	[sflag:s28] =	ssyncset.done $0x0  }
0xee: {  	s20 =	rddreg [dreg:$0xc];
	[sflag:s28] =	ssyncadd.s32 $0xFFFFC000  }
0xef: {  	[hbm4b:s20+s4] =	stream.linear.scatter [tilespmem:s30], [sflag:$0x7], $0x4000, $0x38;
	[tilespmem:$0x10080] =	vst v63  }
0xf0: {  	_ =	swait.ge [sflag:s29], $0x4000  }
0xf1: {  	[sflag:s29] =	ssyncset.done $0x0  }
0xf2: {  	[sflag:s29] =	ssyncadd.s32 $0xFFFFC000  }
0xf3: {  	_ =	swait.ge [sflag:s31], $0x4000  }
0xf4: {  	[sflag:s31] =	ssyncset.done $0x0  }
0xf5: {  	[sflag:s31] =	ssyncadd.s32 $0xFFFFC000  }
0xf6: {  	v3 =	vld [tilespmem:$0x40];
	_ =	sdelay $0x4  }
0xf7: {  	v56 =	vshll.u32 v3, $0x3  }
0xf8: {  	v3 =	vand.u32 $0x7, v3;
	v4 =	vand.u32 $0xFFFFFFC0, v56  }
0xf9: {  	v3 =	vor.u32 v3, v4  }
0xfa: {  	v4 =	vperm.xlane v3, v0;
	_ =	sdelay $0x1  }
0xfb: {  	v4 =	vadd.s32 v1, v4;
	_ =	sdelay $0x4  }
0xfc: {  	[tilespmem:s21], [sflag:$0x1] =	stream.indirect_vreg.gather [hbm4b:s1+s4], $0x80, v4, vm0, $0xb8;
	[tilespmem:$0x10080] =	vst v63  }
0xfd: {  	s20 =	simm.s32 $0x880;
	v3 =	vperm.xlane v3, v2  }
0xfe: {  	[tilespmem:s20], [sflag:$0x1] =	stream.indirect_vreg.gather [hbm4b:s5+s4], $0x80, v4, vm0, $0xb8;
	[tilespmem:$0x10080] =	vst v63  }
0xff: {  	v3 =	vadd.s32 v1, v3  }
0x100: {  	[tilespmem:s22], [sflag:$0x1] =	stream.indirect_vreg.gather [hbm4b:s6+s4], $0x80, v4, vm0, $0xb8;
	[tilespmem:$0x10080] =	vst v63  }
0x101: {  	_ = 	snop  }
0x102: {  	[tilespmem:s23], [sflag:$0x1] =	stream.indirect_vreg.gather [hbm4b:s7+s4], $0x80, v4, vm0, $0xb8;
	[tilespmem:$0x10080] =	vst v63  }
0x103: {  	_ = 	snop  }
0x104: {  	[tilespmem:s24], [sflag:$0x1] =	stream.indirect_vreg.gather [hbm4b:s1+s4], $0x80, v3, vm0, $0xb8;
	[tilespmem:$0x10080] =	vst v63  }
0x105: {  	_ = 	snop  }
0x106: {  	[tilespmem:s25], [sflag:$0x1] =	stream.indirect_vreg.gather [hbm4b:s5+s4], $0x80, v3, vm0, $0xb8;
	[tilespmem:$0x10080] =	vst v63  }
0x107: {  	_ = 	snop  }
0x108: {  	[tilespmem:s16], [sflag:$0x1] =	stream.indirect_vreg.gather [hbm4b:s6+s4], $0x80, v3, vm0, $0xb8;
	[tilespmem:$0x10080] =	vst v63  }
0x109: {  	_ = 	snop  }
0x10a: {  	[tilespmem:s18], [sflag:$0x1] =	stream.indirect_vreg.gather [hbm4b:s7+s4], $0x80, v3, vm0, $0xb8;
	[tilespmem:$0x10080] =	vst v63  }
0x10b: {  	v3 =	vld [tilespmem:$0x40];
	_ =	sdelay $0x4  }
0x10c: {  	v57 =	vshll.u32 v3, $0x3  }
0x10d: {  	v3 =	vand.u32 $0x7, v3;
	v4 =	vand.u32 $0xFFFFFFC0, v57  }
0x10e: {  	v3 =	vor.u32 v3, v4  }
0x10f: {  	v4 =	vperm.xlane v3, v0;
	_ =	sdelay $0x1  }
0x110: {  	v4 =	vadd.s32 v1, v4;
	_ =	sdelay $0x4  }
0x111: {  	[tilespmem:s30], [sflag:$0x3] =	stream.indirect_vreg.gather [hbm4b:s2+s4], $0x80, v4, vm0, $0xb8;
	[tilespmem:$0x10080] =	vst v63  }
0x112: {  	s25 =	simm.s32 $0x8880;
	v3 =	vperm.xlane v3, v2  }
0x113: {  	[tilespmem:s25], [sflag:$0x3] =	stream.indirect_vreg.gather [hbm4b:s8+s4], $0x80, v4, vm0, $0xb8;
	[tilespmem:$0x10080] =	vst v63  }
0x114: {  	v3 =	vadd.s32 v1, v3;
	s25 =	simm.s32 $0x9080  }
0x115: {  	[tilespmem:s25], [sflag:$0x3] =	stream.indirect_vreg.gather [hbm4b:s9+s4], $0x80, v4, vm0, $0xb8;
	[tilespmem:$0x10080] =	vst v63  }
0x116: {  	s25 =	simm.s32 $0x9880  }
0x117: {  	[tilespmem:s25], [sflag:$0x3] =	stream.indirect_vreg.gather [hbm4b:s10+s4], $0x80, v4, vm0, $0xb8;
	[tilespmem:$0x10080] =	vst v63  }
0x118: {  	s25 =	simm.s32 $0xA080  }
0x119: {  	[tilespmem:s25], [sflag:$0x3] =	stream.indirect_vreg.gather [hbm4b:s2+s4], $0x80, v3, vm0, $0xb8;
	[tilespmem:$0x10080] =	vst v63  }
0x11a: {  	s25 =	simm.s32 $0xA880  }
0x11b: {  	[tilespmem:s25], [sflag:$0x3] =	stream.indirect_vreg.gather [hbm4b:s8+s4], $0x80, v3, vm0, $0xb8;
	[tilespmem:$0x10080] =	vst v63  }
0x11c: {  	s25 =	simm.s32 $0xB080  }
0x11d: {  	[tilespmem:s25], [sflag:$0x3] =	stream.indirect_vreg.gather [hbm4b:s9+s4], $0x80, v3, vm0, $0xb8;
	[tilespmem:$0x10080] =	vst v63  }
0x11e: {  	s25 =	simm.s32 $0xB880  }
0x11f: {  	[tilespmem:s25], [sflag:$0x3] =	stream.indirect_vreg.gather [hbm4b:s10+s4], $0x80, v3, vm0, $0xb8;
	[tilespmem:$0x10080] =	vst v63  }
0x120: {  	_ =	swait.ge [sflag:s3], $0x4000  }
0x121: {  	[sflag:s3] =	ssyncset.done $0x0  }
0x122: {  	s25 =	rddreg [dreg:$0xd];
	[sflag:s3] =	ssyncadd.s32 $0xFFFFC000  }
0x123: {  	[hbm4b:s25+s4] =	stream.linear.scatter [tilespmem:s17], [sflag:$0x6], $0x4000, $0x38;
	[tilespmem:$0x10080] =	vst v63  }
0x124: {  	_ =	swait.ge [sflag:s0], $0x4000  }
0x125: {  	[sflag:s0] =	ssyncset.done $0x0  }
0x126: {  	s25 =	rddreg [dreg:$0xe];
	[sflag:s0] =	ssyncadd.s32 $0xFFFFC000  }
0x127: {  	[hbm4b:s25+s4] =	stream.linear.scatter [tilespmem:s13], [sflag:$0x8], $0x4000, $0x38;
	[tilespmem:$0x10080] =	vst v63  }
0x128: {  	_ =	swait.ge [sflag:s12], $0x4000  }
0x129: {  	[sflag:s12] =	ssyncset.done $0x0  }
0x12a: {  	[sflag:s12] =	ssyncadd.s32 $0xFFFFC000  }
0x12b: {  	_ =	swait.ge [sflag:s14], $0x4000  }
0x12c: {  	[sflag:s14] =	ssyncset.done $0x0  }
0x12d: {  	[sflag:s14] =	ssyncadd.s32 $0xFFFFC000  }
0x12e: {  	v3 =	vld [tilespmem:$0x50];
	_ =	sdelay $0x4  }
0x12f: {  	v58 =	vshll.u32 v3, $0x3  }
0x130: {  	v3 =	vand.u32 $0x7, v3;
	v4 =	vand.u32 $0xFFFFFFC0, v58  }
0x131: {  	v3 =	vor.u32 v3, v4  }
0x132: {  	v4 =	vperm.xlane v3, v0;
	_ =	sdelay $0x1  }
0x133: {  	v4 =	vadd.s32 v1, v4;
	_ =	sdelay $0x4  }
0x134: {  	[tilespmem:s17], [sflag:$0x2] =	stream.indirect_vreg.gather [hbm4b:s1+s4], $0x80, v4, vm0, $0xb8;
	[tilespmem:$0x10080] =	vst v63  }
0x135: {  	s25 =	simm.s32 $0x4880;
	v3 =	vperm.xlane v3, v2  }
0x136: {  	[tilespmem:s25], [sflag:$0x2] =	stream.indirect_vreg.gather [hbm4b:s5+s4], $0x80, v4, vm0, $0xb8;
	[tilespmem:$0x10080] =	vst v63  }
0x137: {  	v3 =	vadd.s32 v1, v3;
	s25 =	simm.s32 $0x5080  }
0x138: {  	[tilespmem:s25], [sflag:$0x2] =	stream.indirect_vreg.gather [hbm4b:s6+s4], $0x80, v4, vm0, $0xb8;
	[tilespmem:$0x10080] =	vst v63  }
0x139: {  	s19 =	simm.s32 $0x5880  }
0x13a: {  	[tilespmem:s19], [sflag:$0x2] =	stream.indirect_vreg.gather [hbm4b:s7+s4], $0x80, v4, vm0, $0xb8;
	[tilespmem:$0x10080] =	vst v63  }
0x13b: {  	s19 =	simm.s32 $0x6080  }
0x13c: {  	[tilespmem:s19], [sflag:$0x2] =	stream.indirect_vreg.gather [hbm4b:s1+s4], $0x80, v3, vm0, $0xb8;
	[tilespmem:$0x10080] =	vst v63  }
0x13d: {  	s15 =	simm.s32 $0x6880  }
0x13e: {  	[tilespmem:s15], [sflag:$0x2] =	stream.indirect_vreg.gather [hbm4b:s5+s4], $0x80, v3, vm0, $0xb8;
	[tilespmem:$0x10080] =	vst v63  }
0x13f: {  	s15 =	simm.s32 $0x7080  }
0x140: {  	[tilespmem:s15], [sflag:$0x2] =	stream.indirect_vreg.gather [hbm4b:s6+s4], $0x80, v3, vm0, $0xb8;
	[tilespmem:$0x10080] =	vst v63  }
0x141: {  	s15 =	simm.s32 $0x7880  }
0x142: {  	[tilespmem:s15], [sflag:$0x2] =	stream.indirect_vreg.gather [hbm4b:s7+s4], $0x80, v3, vm0, $0xb8;
	[tilespmem:$0x10080] =	vst v63  }
0x143: {  	v3 =	vld [tilespmem:$0x50];
	_ =	sdelay $0x4  }
0x144: {  	v59 =	vshll.u32 v3, $0x3  }
0x145: {  	v3 =	vand.u32 $0x7, v3;
	v4 =	vand.u32 $0xFFFFFFC0, v59  }
0x146: {  	v3 =	vor.u32 v3, v4  }
0x147: {  	v4 =	vperm.xlane v3, v0;
	_ =	sdelay $0x1  }
0x148: {  	v4 =	vadd.s32 v1, v4;
	_ =	sdelay $0x4  }
0x149: {  	[tilespmem:s13], [sflag:$0x4] =	stream.indirect_vreg.gather [hbm4b:s2+s4], $0x80, v4, vm0, $0xb8;
	[tilespmem:$0x10080] =	vst v63  }
0x14a: {  	s15 =	simm.s32 $0xC880;
	v3 =	vperm.xlane v3, v2  }
0x14b: {  	[tilespmem:s15], [sflag:$0x4] =	stream.indirect_vreg.gather [hbm4b:s8+s4], $0x80, v4, vm0, $0xb8;
	[tilespmem:$0x10080] =	vst v63  }
0x14c: {  	v3 =	vadd.s32 v1, v3;
	s15 =	simm.s32 $0xD080  }
0x14d: {  	[tilespmem:s15], [sflag:$0x4] =	stream.indirect_vreg.gather [hbm4b:s9+s4], $0x80, v4, vm0, $0xb8;
	[tilespmem:$0x10080] =	vst v63  }
0x14e: {  	s15 =	simm.s32 $0xD880  }
0x14f: {  	[tilespmem:s15], [sflag:$0x4] =	stream.indirect_vreg.gather [hbm4b:s10+s4], $0x80, v4, vm0, $0xb8;
	[tilespmem:$0x10080] =	vst v63  }
0x150: {  	s15 =	simm.s32 $0xE080  }
0x151: {  	[tilespmem:s15], [sflag:$0x4] =	stream.indirect_vreg.gather [hbm4b:s2+s4], $0x80, v3, vm0, $0xb8;
	[tilespmem:$0x10080] =	vst v63  }
0x152: {  	s15 =	simm.s32 $0xE880  }
0x153: {  	[tilespmem:s15], [sflag:$0x4] =	stream.indirect_vreg.gather [hbm4b:s8+s4], $0x80, v3, vm0, $0xb8;
	[tilespmem:$0x10080] =	vst v63  }
0x154: {  	s15 =	simm.s32 $0xF080  }
0x155: {  	[tilespmem:s15], [sflag:$0x4] =	stream.indirect_vreg.gather [hbm4b:s9+s4], $0x80, v3, vm0, $0xb8;
	[tilespmem:$0x10080] =	vst v63  }
0x156: {  	s15 =	simm.s32 $0xF880  }
0x157: {  	[tilespmem:s15], [sflag:$0x4] =	stream.indirect_vreg.gather [hbm4b:s10+s4], $0x80, v3, vm0, $0xb8;
	[tilespmem:$0x10080] =	vst v63  }
0x158: {  	_ =	swait.ge [sflag:s26], $0x4000  }
0x159: {  	[sflag:s26] =	ssyncset.done $0x0  }
0x15a: {  	s15 =	rddreg [dreg:$0xf];
	[sflag:s26] =	ssyncadd.s32 $0xFFFFC000  }
0x15b: {  	[hbm4b:s15+s4] =	stream.linear.scatter [tilespmem:s21], [sflag:$0x5], $0x4000, $0x38;
	[tilespmem:$0x10080] =	vst v63  }
0x15c: {  	_ =	swait.ge [sflag:s28], $0x4000  }
0x15d: {  	[sflag:s28] =	ssyncset.done $0x0  }
0x15e: {  	s15 =	rddreg [dreg:$0x10];
	[sflag:s28] =	ssyncadd.s32 $0xFFFFC000  }
0x15f: {  	[hbm4b:s15+s4] =	stream.linear.scatter [tilespmem:s30], [sflag:$0x7], $0x4000, $0x38;
	[tilespmem:$0x10080] =	vst v63  }
0x160: {  	_ =	swait.ge [sflag:s29], $0x4000  }
0x161: {  	[sflag:s29] =	ssyncset.done $0x0  }
0x162: {  	[sflag:s29] =	ssyncadd.s32 $0xFFFFC000  }
0x163: {  	_ =	swait.ge [sflag:s31], $0x4000  }
0x164: {  	[sflag:s31] =	ssyncset.done $0x0  }
0x165: {  	[sflag:s31] =	ssyncadd.s32 $0xFFFFC000  }
0x166: {  	v3 =	vld [tilespmem:$0x60];
	_ =	sdelay $0x4  }
0x167: {  	v60 =	vshll.u32 v3, $0x3  }
0x168: {  	v3 =	vand.u32 $0x7, v3;
	v4 =	vand.u32 $0xFFFFFFC0, v60  }
0x169: {  	v3 =	vor.u32 v3, v4  }
0x16a: {  	v4 =	vperm.xlane v3, v0;
	_ =	sdelay $0x1  }
0x16b: {  	v4 =	vadd.s32 v1, v4;
	_ =	sdelay $0x4  }
0x16c: {  	[tilespmem:s21], [sflag:$0x1] =	stream.indirect_vreg.gather [hbm4b:s1+s4], $0x80, v4, vm0, $0xb8;
	[tilespmem:$0x10080] =	vst v63  }
0x16d: {  	s15 =	simm.s32 $0x880;
	v3 =	vperm.xlane v3, v2  }
0x16e: {  	[tilespmem:s15], [sflag:$0x1] =	stream.indirect_vreg.gather [hbm4b:s5+s4], $0x80, v4, vm0, $0xb8;
	[tilespmem:$0x10080] =	vst v63  }
0x16f: {  	s20 =	simm.s32 $0x1080;
	v3 =	vadd.s32 v1, v3  }
0x170: {  	[tilespmem:s20], [sflag:$0x1] =	stream.indirect_vreg.gather [hbm4b:s6+s4], $0x80, v4, vm0, $0xb8;
	[tilespmem:$0x10080] =	vst v63  }
0x171: {  	s22 =	simm.s32 $0x1880  }
0x172: {  	[tilespmem:s22], [sflag:$0x1] =	stream.indirect_vreg.gather [hbm4b:s7+s4], $0x80, v4, vm0, $0xb8;
	[tilespmem:$0x10080] =	vst v63  }
0x173: {  	s23 =	simm.s32 $0x2080  }
0x174: {  	[tilespmem:s23], [sflag:$0x1] =	stream.indirect_vreg.gather [hbm4b:s1+s4], $0x80, v3, vm0, $0xb8;
	[tilespmem:$0x10080] =	vst v63  }
0x175: {  	s24 =	simm.s32 $0x2880  }
0x176: {  	[tilespmem:s24], [sflag:$0x1] =	stream.indirect_vreg.gather [hbm4b:s5+s4], $0x80, v3, vm0, $0xb8;
	[tilespmem:$0x10080] =	vst v63  }
0x177: {  	s16 =	simm.s32 $0x3080  }
0x178: {  	[tilespmem:s16], [sflag:$0x1] =	stream.indirect_vreg.gather [hbm4b:s6+s4], $0x80, v3, vm0, $0xb8;
	[tilespmem:$0x10080] =	vst v63  }
0x179: {  	s18 =	simm.s32 $0x3880  }
0x17a: {  	[tilespmem:s18], [sflag:$0x1] =	stream.indirect_vreg.gather [hbm4b:s7+s4], $0x80, v3, vm0, $0xb8;
	[tilespmem:$0x10080] =	vst v63  }
0x17b: {  	v3 =	vld [tilespmem:$0x60];
	_ =	sdelay $0x4  }
0x17c: {  	v61 =	vshll.u32 v3, $0x3  }
0x17d: {  	v3 =	vand.u32 $0x7, v3;
	v4 =	vand.u32 $0xFFFFFFC0, v61  }
0x17e: {  	v3 =	vor.u32 v3, v4  }
0x17f: {  	v4 =	vperm.xlane v3, v0;
	_ =	sdelay $0x1  }
0x180: {  	v4 =	vadd.s32 v1, v4;
	_ =	sdelay $0x4  }
0x181: {  	[tilespmem:s30], [sflag:$0x3] =	stream.indirect_vreg.gather [hbm4b:s2+s4], $0x80, v4, vm0, $0xb8;
	[tilespmem:$0x10080] =	vst v63  }
0x182: {  	s22 =	simm.s32 $0x8880;
	v3 =	vperm.xlane v3, v2  }
0x183: {  	[tilespmem:s22], [sflag:$0x3] =	stream.indirect_vreg.gather [hbm4b:s8+s4], $0x80, v4, vm0, $0xb8;
	[tilespmem:$0x10080] =	vst v63  }
0x184: {  	s23 =	simm.s32 $0x9080;
	v3 =	vadd.s32 v1, v3  }
0x185: {  	[tilespmem:s23], [sflag:$0x3] =	stream.indirect_vreg.gather [hbm4b:s9+s4], $0x80, v4, vm0, $0xb8;
	[tilespmem:$0x10080] =	vst v63  }
0x186: {  	s24 =	simm.s32 $0x9880  }
0x187: {  	[tilespmem:s24], [sflag:$0x3] =	stream.indirect_vreg.gather [hbm4b:s10+s4], $0x80, v4, vm0, $0xb8;
	[tilespmem:$0x10080] =	vst v63  }
0x188: {  	s16 =	simm.s32 $0xA080  }
0x189: {  	[tilespmem:s16], [sflag:$0x3] =	stream.indirect_vreg.gather [hbm4b:s2+s4], $0x80, v3, vm0, $0xb8;
	[tilespmem:$0x10080] =	vst v63  }
0x18a: {  	s18 =	simm.s32 $0xA880  }
0x18b: {  	[tilespmem:s18], [sflag:$0x3] =	stream.indirect_vreg.gather [hbm4b:s8+s4], $0x80, v3, vm0, $0xb8;
	[tilespmem:$0x10080] =	vst v63  }
0x18c: {  	s20 =	simm.s32 $0xB080  }
0x18d: {  	[tilespmem:s20], [sflag:$0x3] =	stream.indirect_vreg.gather [hbm4b:s9+s4], $0x80, v3, vm0, $0xb8;
	[tilespmem:$0x10080] =	vst v63  }
0x18e: {  	s22 =	simm.s32 $0xB880  }
0x18f: {  	[tilespmem:s22], [sflag:$0x3] =	stream.indirect_vreg.gather [hbm4b:s10+s4], $0x80, v3, vm0, $0xb8;
	[tilespmem:$0x10080] =	vst v63  }
0x190: {  	_ =	swait.ge [sflag:s3], $0x4000  }
0x191: {  	[sflag:s3] =	ssyncset.done $0x0  }
0x192: {  	s23 =	rddreg [dreg:$0x11];
	[sflag:s3] =	ssyncadd.s32 $0xFFFFC000  }
0x193: {  	[hbm4b:s23+s4] =	stream.linear.scatter [tilespmem:s17], [sflag:$0x6], $0x4000, $0x38;
	[tilespmem:$0x10080] =	vst v63  }
0x194: {  	_ =	swait.ge [sflag:s0], $0x4000  }
0x195: {  	[sflag:s0] =	ssyncset.done $0x0  }
0x196: {  	s24 =	rddreg [dreg:$0x12];
	[sflag:s0] =	ssyncadd.s32 $0xFFFFC000  }
0x197: {  	[hbm4b:s24+s4] =	stream.linear.scatter [tilespmem:s13], [sflag:$0x8], $0x4000, $0x38;
	[tilespmem:$0x10080] =	vst v63  }
0x198: {  	_ =	swait.ge [sflag:s12], $0x4000  }
0x199: {  	[sflag:s12] =	ssyncset.done $0x0  }
0x19a: {  	[sflag:s12] =	ssyncadd.s32 $0xFFFFC000  }
0x19b: {  	_ =	swait.ge [sflag:s14], $0x4000  }
0x19c: {  	[sflag:s14] =	ssyncset.done $0x0  }
0x19d: {  	[sflag:s14] =	ssyncadd.s32 $0xFFFFC000  }
0x19e: {  	v3 =	vld [tilespmem:$0x70];
	_ =	sdelay $0x4  }
0x19f: {  	v62 =	vshll.u32 v3, $0x3  }
0x1a0: {  	v3 =	vand.u32 $0x7, v3;
	v4 =	vand.u32 $0xFFFFFFC0, v62  }
0x1a1: {  	v3 =	vor.u32 v3, v4  }
0x1a2: {  	v4 =	vperm.xlane v3, v0;
	_ =	sdelay $0x1  }
0x1a3: {  	v4 =	vadd.s32 v1, v4;
	_ =	sdelay $0x4  }
0x1a4: {  	[tilespmem:s17], [sflag:$0x2] =	stream.indirect_vreg.gather [hbm4b:s1+s4], $0x80, v4, vm0, $0xb8;
	[tilespmem:$0x10080] =	vst v63  }
0x1a5: {  	s16 =	simm.s32 $0x4880;
	v3 =	vperm.xlane v3, v2  }
0x1a6: {  	[tilespmem:s16], [sflag:$0x2] =	stream.indirect_vreg.gather [hbm4b:s5+s4], $0x80, v4, vm0, $0xb8;
	[tilespmem:$0x10080] =	vst v63  }
0x1a7: {  	s18 =	simm.s32 $0x5080;
	v3 =	vadd.s32 v1, v3  }
0x1a8: {  	[tilespmem:s18], [sflag:$0x2] =	stream.indirect_vreg.gather [hbm4b:s6+s4], $0x80, v4, vm0, $0xb8;
	[tilespmem:$0x10080] =	vst v63  }
0x1a9: {  	s25 =	simm.s32 $0x5880  }
0x1aa: {  	[tilespmem:s25], [sflag:$0x2] =	stream.indirect_vreg.gather [hbm4b:s7+s4], $0x80, v4, vm0, $0xb8;
	[tilespmem:$0x10080] =	vst v63  }
0x1ab: {  	s19 =	simm.s32 $0x6080  }
0x1ac: {  	[tilespmem:s19], [sflag:$0x2] =	stream.indirect_vreg.gather [hbm4b:s1+s4], $0x80, v3, vm0, $0xb8;
	[tilespmem:$0x10080] =	vst v63  }
0x1ad: {  	s19 =	simm.s32 $0x6880  }
0x1ae: {  	[tilespmem:s19], [sflag:$0x2] =	stream.indirect_vreg.gather [hbm4b:s5+s4], $0x80, v3, vm0, $0xb8;
	[tilespmem:$0x10080] =	vst v63  }
0x1af: {  	s20 =	simm.s32 $0x7080  }
0x1b0: {  	[tilespmem:s20], [sflag:$0x2] =	stream.indirect_vreg.gather [hbm4b:s6+s4], $0x80, v3, vm0, $0xb8;
	[tilespmem:$0x10080] =	vst v63  }
0x1b1: {  	s22 =	simm.s32 $0x7880  }
0x1b2: {  	[tilespmem:s22], [sflag:$0x2] =	stream.indirect_vreg.gather [hbm4b:s7+s4], $0x80, v3, vm0, $0xb8;
	[tilespmem:$0x10080] =	vst v63  }
0x1b3: {  	v3 =	vld [tilespmem:$0x70];
	_ =	sdelay $0x4  }
0x1b4: {  	v63 =	vshll.u32 v3, $0x3  }
0x1b5: {  	v3 =	vand.u32 $0x7, v3;
	v4 =	vand.u32 $0xFFFFFFC0, v63  }
0x1b6: {  	v3 =	vor.u32 v3, v4  }
0x1b7: {  	v4 =	vperm.xlane v3, v0;
	_ =	sdelay $0x1  }
0x1b8: {  	v4 =	vadd.s32 v1, v4;
	_ =	sdelay $0x4  }
0x1b9: {  	[tilespmem:s13], [sflag:$0x4] =	stream.indirect_vreg.gather [hbm4b:s2+s4], $0x80, v4, vm0, $0xb8;
	[tilespmem:$0x10080] =	vst v63  }
0x1ba: {  	s23 =	simm.s32 $0xC880;
	v3 =	vperm.xlane v3, v2  }
0x1bb: {  	[tilespmem:s23], [sflag:$0x4] =	stream.indirect_vreg.gather [hbm4b:s8+s4], $0x80, v4, vm0, $0xb8;
	[tilespmem:$0x10080] =	vst v63  }
0x1bc: {  	s24 =	simm.s32 $0xD080;
	v3 =	vadd.s32 v1, v3  }
0x1bd: {  	[tilespmem:s24], [sflag:$0x4] =	stream.indirect_vreg.gather [hbm4b:s9+s4], $0x80, v4, vm0, $0xb8;
	[tilespmem:$0x10080] =	vst v63  }
0x1be: {  	s25 =	simm.s32 $0xD880  }
0x1bf: {  	[tilespmem:s25], [sflag:$0x4] =	stream.indirect_vreg.gather [hbm4b:s10+s4], $0x80, v4, vm0, $0xb8;
	[tilespmem:$0x10080] =	vst v63  }
0x1c0: {  	s16 =	simm.s32 $0xE080  }
0x1c1: {  	[tilespmem:s16], [sflag:$0x4] =	stream.indirect_vreg.gather [hbm4b:s2+s4], $0x80, v3, vm0, $0xb8;
	[tilespmem:$0x10080] =	vst v63  }
0x1c2: {  	s18 =	simm.s32 $0xE880  }
0x1c3: {  	[tilespmem:s18], [sflag:$0x4] =	stream.indirect_vreg.gather [hbm4b:s8+s4], $0x80, v3, vm0, $0xb8;
	[tilespmem:$0x10080] =	vst v63  }
0x1c4: {  	s19 =	simm.s32 $0xF080  }
0x1c5: {  	[tilespmem:s19], [sflag:$0x4] =	stream.indirect_vreg.gather [hbm4b:s9+s4], $0x80, v3, vm0, $0xb8;
	[tilespmem:$0x10080] =	vst v63  }
0x1c6: {  	s20 =	simm.s32 $0xF880  }
0x1c7: {  	[tilespmem:s20], [sflag:$0x4] =	stream.indirect_vreg.gather [hbm4b:s10+s4], $0x80, v3, vm0, $0xb8;
	[tilespmem:$0x10080] =	vst v63  }
0x1c8: {  	_ =	swait.ge [sflag:s26], $0x4000  }
0x1c9: {  	[sflag:s26] =	ssyncset.done $0x0  }
0x1ca: {  	s22 =	rddreg [dreg:$0x13];
	[sflag:s26] =	ssyncadd.s32 $0xFFFFC000  }
0x1cb: {  	[hbm4b:s22+s4] =	stream.linear.scatter [tilespmem:s21], [sflag:$0x5], $0x4000, $0x38;
	[tilespmem:$0x10080] =	vst v63  }
0x1cc: {  	_ =	swait.ge [sflag:s28], $0x4000  }
0x1cd: {  	[sflag:s28] =	ssyncset.done $0x0  }
0x1ce: {  	s23 =	rddreg [dreg:$0x14];
	[sflag:s28] =	ssyncadd.s32 $0xFFFFC000  }
0x1cf: {  	[hbm4b:s23+s4] =	stream.linear.scatter [tilespmem:s30], [sflag:$0x7], $0x4000, $0x38;
	[tilespmem:$0x10080] =	vst v63  }
0x1d0: {  	_ =	swait.ge [sflag:s3], $0x4000  }
0x1d1: {  	[sflag:s3] =	ssyncset.done $0x0  }
0x1d2: {  	s24 =	rddreg [dreg:$0x15];
	[sflag:s3] =	ssyncadd.s32 $0xFFFFC000  }
0x1d3: {  	[hbm4b:s24+s4] =	stream.linear.scatter [tilespmem:s17], [sflag:$0x6], $0x4000, $0x38;
	[tilespmem:$0x10080] =	vst v63  }
0x1d4: {  	_ =	swait.ge [sflag:s0], $0x4000  }
0x1d5: {  	[sflag:s0] =	ssyncset.done $0x0  }
0x1d6: {  	s25 =	rddreg [dreg:$0x16];
	[sflag:s0] =	ssyncadd.s32 $0xFFFFC000  }
0x1d7: {  	[hbm4b:s25+s4] =	stream.linear.scatter [tilespmem:s13], [sflag:$0x8], $0x4000, $0x38;
	[tilespmem:$0x10080] =	vst v63  }
0x1d8: {  	_ =	swait.ge [sflag:s29], $0x4000  }
0x1d9: {  	[sflag:s29] =	ssyncset.done $0x0  }
0x1da: {  	[sflag:s29] =	ssyncadd.s32 $0xFFFFC000  }
0x1db: {  	_ =	swait.ge [sflag:s31], $0x4000  }
0x1dc: {  	[sflag:s31] =	ssyncset.done $0x0  }
0x1dd: {  	[sflag:s31] =	ssyncadd.s32 $0xFFFFC000  }
0x1de: {  	p0 =	sne.s32 s11, $0x1;
	_ =	swait.ge [sflag:s12], $0x4000  }
.Ltmp0:
0x1df: {  	[sflag:s12] =	ssyncset.done $0x0;
	(pc) =	sbr.rel @p0 .LBB2_1-.Ltmp0, $4  }
0x1e0: {  	[sflag:s12] =	ssyncadd.s32 $0xFFFFC000  }
0x1e1: {  	_ =	swait.ge [sflag:s14], $0x4000  }
0x1e2: {  	[sflag:s14] =	ssyncset.done $0x0  }
0x1e3: {  	s11 =	sadd.s32 $0xFFFFFFFF, s11;
	[sflag:s14] =	ssyncadd.s32 $0xFFFFC000  }
0x1e4: {  	_ =	sfence.sel $0x180000  }
0x1e5: {  	[bflag:$0x0] =	sbarrier.arrive $0xFFFF  }
0x1e6: {  	_ =	strace $0x90000047  }
0x1e7: {  	s0 =	stileid.u32;
	[bflag:$0x2] =	sbarrier.arrive $0xFFFF  }
0x1e8: {  	p0 =	sne.s32 s0, $0x0;
	s0 =	rddreg [dreg:$0x5]  }
0x1e9: {  	s0 =	sadd.s32 @!p0 $0x100000, s0  }
0x1ea: {  	[sflag:s0] =	ssyncadd.tile.s32 @!p0 $0x1;
	_ =	shalt  }
.Lfunc_end2:
_tile_overlayer_lowered:
.L_overlay_start_2:
0x1eb: {  	(tag) =	ssettag $0x2  }
0x1ec: {  	s0 =	rddreg [dreg:$0x0];
	s2 =	stileid.u32  }
0x1ed: {  	s1 =	rddreg [dreg:$0x1];
	p0 =	sne.s32 s2, $0x0  }
0x1ee: {  	s3 =	rddreg [dreg:$0x2];
	[bflag:$0x3] =	sbarrier.arrive $0xFFFF;
	s2 =	simm.s32 @!p0 $0x1C09  }
0x1ef: {  	[timem:s3], [sflag:s2] =	dma.local @!p0 [hbm:s0], s1  }
0x1f0: {  	s0 =	simm.s32 @!p0 $0x9  }
0x1f1: {  	_ =	swait.ge @!p0 [sflag:s0], s1  }
0x1f2: {  	s1 =	ssub.s32 @!p0 $0x0, s1;
	[sflag:s0] =	ssyncset.done @!p0 $0x0  }
0x1f3: {  	[sflag:s0] =	ssyncadd.s32 @!p0 s1  }
0x1f4: {  	[bflag:$0x3] =	sbarrier.arrive $0xFFFF  }
0x1f5: {  	_ =	shalt  }

</sc_bundles>
